<compile_context>
chip_gen: v7x
topology: tpu7x:2x2x1
jax: 0.10.2.dev20260603
libtpu: 0.0.44.dev20260713+nightly
codegen_flags: <defaults>
</compile_context>

<pallas_src>
import functools

import jax
import jax.numpy as jnp
from jax.experimental import pallas as pl
from jax.experimental.pallas import tpu as pltpu
from jax.experimental.pallas import tpu_sc as plsc

N_BINS = 16
BBLK = 2048


def _encode_block(x_vmem, o_vmem):
    @plsc.parallel_loop(0, BBLK, 16, unroll=2)
    def _(c):
        xv = x_vmem[0, pl.ds(c, 16)]
        u = xv * (8.0 / 3.0) + 8.0
        for r in range(N_BINS):
            v = u - float(r)
            if r < N_BINS - 1:
                v = jnp.minimum(v, 1.0)
            if r > 0:
                v = jnp.maximum(v, 0.0)
            o_vmem[r, pl.ds(c, 16)] = v


def kernel(x):
    b, f = x.shape
    xt = x.T
    mesh = plsc.VectorSubcoreMesh(core_axis_name="c", subcore_axis_name="s")

    @functools.partial(
        pl.kernel,
        out_type=jax.ShapeDtypeStruct((f * N_BINS, b), jnp.float32),
        mesh=mesh,
    )
    def run(x_hbm, o_hbm):
        pltpu.emit_pipeline(
            _encode_block,
            grid=(f, b // BBLK),
            in_specs=[pl.BlockSpec((1, BBLK), lambda i, j: (i, j))],
            out_specs=[pl.BlockSpec((N_BINS, BBLK), lambda i, j: (i, j))],
            core_axis_name=("c", "s"),
            dimension_semantics=(pltpu.PARALLEL, pltpu.PARALLEL),
        )(x_hbm, o_hbm)

    out = run(xt)
    return out.reshape(f, N_BINS, b).transpose(2, 0, 1)

# --- scband reference (transcript-rebuilt; emitter-appended) ---
"""Pipeline reference for scband-piecewise-linear-encoder-33852932227832 (READ-ONLY COPY).

The authoritative reference and input builder live on the scoring server;
editing this copy changes nothing except your own understanding.
"""

import jax, jax.numpy as jnp
import numpy as np

N_FEATURES = 32
N_EDGES = 17
N_BINS = N_EDGES - 1
BATCH = 131072
BIN_EDGES = jnp.tile(jnp.linspace(-3.0, 3.0, N_EDGES, dtype=jnp.float32)[None, :], (N_FEATURES, 1))  # (F, E)


def _encode(x):
    # compute_bin_indices: torch.bucketize(x[:, i], edges[i][1:-1]) (right=False == searchsorted side='left')
    # compute_bin_linear_ratios: (x - left_edge) / (right_edge - left_edge)
    def per_feature(col, edges):
        idx = jnp.searchsorted(edges[1:-1], col, side='left')  # in [0, N_BINS-1]
        left = edges[idx]
        right = edges[idx + 1]
        ratio = (col - left) / (right - left)
        return ratio, idx

    ratios, indices = jax.vmap(per_feature, in_axes=(1, 0), out_axes=1)(x, BIN_EDGES)
    # piecewise linear encoding (stack=True, equal bin counts so no padding needed):
    # bins strictly left of the containing bin -> 1, containing bin -> ratio, right -> 0
    r = jnp.arange(N_BINS)
    enc = jnp.where(
        r[None, None, :] < indices[..., None],
        jnp.float32(1.0),
        jnp.where(r[None, None, :] == indices[..., None], ratios[..., None], jnp.float32(0.0)),
    )
    return enc.astype(jnp.float32)  # (B, F, N_BINS)


def setup_inputs(seed: int = 0):
    key = jax.random.key(seed)
    x = jax.random.normal(key, (BATCH, N_FEATURES), dtype=jnp.float32)
    return {"x": x}


def reference(x):
    return _encode(x)

if __name__ == "__main__":
    import jax
    _d = setup_inputs()
    print(jax.jit(kernel)(*tuple(_d.values())))

</pallas_src>

<mosaic_0001>
#map = affine_map<(d0, d1) -> (0, 0)>
module attributes {stable_mosaic.version = 14 : i64} {
  func.func @run(%arg0: i32, %arg1: i32, %arg2: memref<32x131072xf32, #tpu.memory_space<hbm>>, %arg3: memref<512x131072xf32, #tpu.memory_space<hbm>>) attributes {dimension_semantics = [#tpu.dimension_semantics<core_parallel>, #tpu.dimension_semantics<subcore_parallel>], iteration_bounds = array<i64: 2, 16>, scalar_prefetch = 0 : i64, scratch_operands = 0 : i64, tpu.core_type = #tpu.core_type<sc_vector_subcore>, window_params = [{transform_indices = #map}, {transform_indices = #map}]} {
    %mul3A = arith.constant 1 : i32
    %mul3A_0 = arith.muli %arg1, %mul3A : i32
    %add3A = arith.constant 0 : i32
    %add3A_1 = arith.addi %add3A, %mul3A_0 : i32
    %mul3A_2 = arith.constant 16 : i32
    %mul3A_3 = arith.muli %arg0, %mul3A_2 : i32
    %add3A_4 = arith.addi %add3A_1, %mul3A_3 : i32
    %mul3A_5 = arith.constant 1 : i32
    %mul3A_6 = arith.muli %add3A_4, %mul3A_5 : i32
    "tpu.region"() ({
      %run_scoped3A = memref.alloca() : memref<2x1x2048xf32, #tpu.memory_space<vmem>>
      %run_scoped3A_7 = tpu.sem_alloc : memref<2x!tpu.dma_semaphore, #tpu.memory_space<semaphore_mem>>
      %run_scoped3A_8 = memref.alloca() : memref<2x16x2048xf32, #tpu.memory_space<vmem>>
      %run_scoped3A_9 = tpu.sem_alloc : memref<2x!tpu.dma_semaphore, #tpu.memory_space<semaphore_mem>>
      %add3A_10 = arith.constant 0 : i32
      %add3A_11 = arith.addi %add3A_10, %mul3A_6 : i32
      %select_n3A = arith.constant true
      %select_n3A_12 = arith.constant 0 : i32
      %select_n3A_13 = arith.constant -1 : i32
      %select_n3A_14 = arith.select %select_n3A, %select_n3A_13, %select_n3A_12 : i32
      %eq3A = arith.constant -1 : i32
      %eq3A_15 = arith.cmpi eq, %select_n3A_14, %eq3A : i32
      %select_n3A_16 = arith.constant 63 : i32
      %select_n3A_17 = arith.select %eq3A_15, %select_n3A_16, %select_n3A_14 : i32
      %select_n3A_18 = arith.constant 0 : i32
      %select_n3A_19 = arith.constant -1 : i32
      %select_n3A_20 = arith.select %eq3A_15, %select_n3A_19, %select_n3A_18 : i32
      %eq3A_21 = arith.constant -1 : i32
      %eq3A_22 = arith.cmpi eq, %select_n3A_20, %eq3A_21 : i32
      %select_n3A_23 = arith.constant 0 : i32
      %select_n3A_24 = arith.select %eq3A_22, %select_n3A_23, %select_n3A_20 : i32
      %add3A_25 = arith.constant 0 : i32
      %add3A_26 = arith.addi %add3A_25, %mul3A_6 : i32
      %add3A_27 = arith.constant 0 : i32
      %add3A_28 = arith.addi %select_n3A_17, %add3A_27 : i32
      %select_n3A_29 = arith.constant true
      %select_n3A_30 = arith.constant 0 : i32
      %select_n3A_31 = arith.constant 1 : i32
      %select_n3A_32 = arith.select %select_n3A_29, %select_n3A_31, %select_n3A_30 : i32
      %eq3A_33 = arith.constant 64 : i32
      %eq3A_34 = arith.cmpi eq, %select_n3A_32, %eq3A_33 : i32
      %select_n3A_35 = arith.constant 0 : i32
      %select_n3A_36 = arith.select %eq3A_34, %select_n3A_35, %select_n3A_32 : i32
      %select_n3A_37 = arith.constant 0 : i32
      %select_n3A_38 = arith.constant 1 : i32
      %select_n3A_39 = arith.select %eq3A_34, %select_n3A_38, %select_n3A_37 : i32
      %eq3A_40 = arith.constant 1 : i32
      %eq3A_41 = arith.cmpi eq, %select_n3A_39, %eq3A_40 : i32
      %select_n3A_42 = arith.constant 0 : i32
      %select_n3A_43 = arith.select %eq3A_41, %select_n3A_42, %select_n3A_39 : i32
      %add3A_44 = arith.constant 0 : i32
      %add3A_45 = arith.addi %add3A_44, %mul3A_6 : i32
      %add3A_46 = arith.constant 0 : i32
      %add3A_47 = arith.addi %select_n3A_36, %add3A_46 : i32
      %add3A_48 = arith.constant 1 : i32
      %add3A_49 = arith.addi %select_n3A_36, %add3A_48 : i32
      %select_n3A_50 = arith.constant true
      %select_n3A_51 = arith.select %select_n3A_50, %add3A_49, %select_n3A_36 : i32
      %eq3A_52 = arith.constant 64 : i32
      %eq3A_53 = arith.cmpi eq, %select_n3A_51, %eq3A_52 : i32
      %select_n3A_54 = arith.constant 0 : i32
      %select_n3A_55 = arith.select %eq3A_53, %select_n3A_54, %select_n3A_51 : i32
      %select_n3A_56 = arith.constant 0 : i32
      %select_n3A_57 = arith.constant 1 : i32
      %select_n3A_58 = arith.select %eq3A_53, %select_n3A_57, %select_n3A_56 : i32
      %eq3A_59 = arith.constant 1 : i32
      %eq3A_60 = arith.cmpi eq, %select_n3A_58, %eq3A_59 : i32
      %select_n3A_61 = arith.constant 0 : i32
      %select_n3A_62 = arith.select %eq3A_60, %select_n3A_61, %select_n3A_58 : i32
      %add3A_63 = arith.constant 0 : i32
      %add3A_64 = arith.addi %add3A_63, %mul3A_6 : i32
      %add3A_65 = arith.constant 0 : i32
      %add3A_66 = arith.addi %select_n3A_55, %add3A_65 : i32
      "tpu.trace_start"() <{level = 10 : i32, message = "ep_initialize_0"}> : () -> ()
      %rem3A = arith.constant 0 : i32
      %rem3A_67 = arith.constant 2 : i32
      %rem3A_68 = arith.remui %rem3A, %rem3A_67 : i32
      %mul3A_69 = arith.constant 1 : i32
      %mul3A_70 = arith.muli %mul3A_69, %add3A_11 : i32
      %dma_start3A = arith.constant 0 : i32
      %dma_start3A_71 = arith.constant 0 : i32
      %dma_start3A_72 = tpu.memref_slice %run_scoped3A[%rem3A_68, %dma_start3A, %dma_start3A_71] : memref<2x1x2048xf32, #tpu.memory_space<vmem>> -> memref<1x1x2048xf32, #tpu.memory_space<vmem>>
      %dma_start3A_73 = tpu.memref_squeeze %dma_start3A_72 : memref<1x1x2048xf32, #tpu.memory_space<vmem>> -> memref<1x2048xf32, #tpu.memory_space<vmem>>
      %dma_start3A_74 = arith.constant 0 : i32
      %dma_start3A_75 = tpu.memref_slice %arg2[%mul3A_70, %dma_start3A_74] : memref<32x131072xf32, #tpu.memory_space<hbm>> -> memref<1x2048xf32, #tpu.memory_space<hbm>>
      %dma_start3A_76 = tpu.memref_slice %run_scoped3A_7[%rem3A_68] : memref<2x!tpu.dma_semaphore, #tpu.memory_space<semaphore_mem>> -> memref<1x!tpu.dma_semaphore, #tpu.memory_space<semaphore_mem>>
      %dma_start3A_77 = tpu.memref_squeeze %dma_start3A_76 : memref<1x!tpu.dma_semaphore, #tpu.memory_space<semaphore_mem>> -> memref<!tpu.dma_semaphore, #tpu.memory_space<semaphore_mem>>
      %dma_start3A_78 = arith.constant 0 : i32
      %dma_start3A_79 = arith.constant 0 : i32
      %dma_start3A_80 = tpu.memref_slice %run_scoped3A[%rem3A_68, %dma_start3A_78, %dma_start3A_79] : memref<2x1x2048xf32, #tpu.memory_space<vmem>> -> memref<1x1x2048xf32, #tpu.memory_space<vmem>>
      %dma_start3A_81 = tpu.memref_squeeze %dma_start3A_80 : memref<1x1x2048xf32, #tpu.memory_space<vmem>> -> memref<1x2048xf32, #tpu.memory_space<vmem>>
      %dma_start3A_82 = arith.constant 0 : i32
      %dma_start3A_83 = tpu.memref_slice %arg2[%mul3A_70, %dma_start3A_82] : memref<32x131072xf32, #tpu.memory_space<hbm>> -> memref<1x2048xf32, #tpu.memory_space<hbm>>
      tpu.enqueue_dma source(%dma_start3A_83 : memref<1x2048xf32, #tpu.memory_space<hbm>>) target(%dma_start3A_81 : memref<1x2048xf32, #tpu.memory_space<vmem>>) target_semaphore(%dma_start3A_77 : memref<!tpu.dma_semaphore, #tpu.memory_space<semaphore_mem>>)
      %add3A_84 = arith.constant 0 : i32
      %add3A_85 = arith.constant 1 : i32
      %add3A_86 = arith.addi %add3A_84, %add3A_85 : i32
      %select_n3A_87 = arith.constant true
      %select_n3A_88 = arith.constant 0 : i32
      %select_n3A_89 = arith.select %select_n3A_87, %add3A_86, %select_n3A_88 : i32
      "tpu.trace_stop"() : () -> ()
      %scan3A = arith.constant 0 : i32
      %scan3A_90 = arith.constant 0 : i32
      %scan3A_91 = arith.constant 0 : i32
      %scan3A_92 = arith.constant 0 : i32
      %scan3A_93 = arith.constant 0 : i32
      %scan3A_94 = arith.constant 0 : i32
      %scan3A_95 = arith.constant 64 : i32
      %scan3A_96 = arith.addi %scan3A_94, %scan3A_95 : i32
      %scan3A_97 = arith.constant 1 : i32
      %scan3A_98:6 = scf.for %scan3A_192 = %scan3A_94 to %scan3A_96 step %scan3A_97 iter_args(%scan3A_193 = %select_n3A_89, %scan3A_194 = %scan3A, %scan3A_195 = %scan3A_90, %scan3A_196 = %scan3A_91, %scan3A_197 = %scan3A_92, %scan3A_198 = %scan3A_93) -> (i32, i32, i32, i32, i32, i32)  : i32 {
        %eq3A_199 = arith.constant 0 : i32
        %eq3A_200 = arith.cmpi eq, %scan3A_192, %eq3A_199 : i32
        %eq3A_201 = arith.constant 63 : i32
        %eq3A_202 = arith.cmpi eq, %scan3A_192, %eq3A_201 : i32
        %add3A_203 = arith.constant 0 : i32
        %add3A_204 = arith.addi %add3A_203, %mul3A_6 : i32
        %add3A_205 = arith.constant 0 : i32
        %add3A_206 = arith.addi %scan3A_198, %add3A_205 : i32
        %sub3A_207 = arith.constant 1 : i32
        %sub3A_208 = arith.subi %scan3A_198, %sub3A_207 : i32
        %select_n3A_209 = arith.constant true
        %select_n3A_210 = arith.select %select_n3A_209, %sub3A_208, %scan3A_198 : i32
        %eq3A_211 = arith.constant -1 : i32
        %eq3A_212 = arith.cmpi eq, %select_n3A_210, %eq3A_211 : i32
        %select_n3A_213 = arith.constant 63 : i32
        %select_n3A_214 = arith.select %eq3A_212, %select_n3A_213, %select_n3A_210 : i32
        %select_n3A_215 = arith.constant 0 : i32
        %select_n3A_216 = arith.constant -1 : i32
        %select_n3A_217 = arith.select %eq3A_212, %select_n3A_216, %select_n3A_215 : i32
        %eq3A_218 = arith.constant -1 : i32
        %eq3A_219 = arith.cmpi eq, %select_n3A_217, %eq3A_218 : i32
        %select_n3A_220 = arith.constant 0 : i32
        %select_n3A_221 = arith.select %eq3A_219, %select_n3A_220, %select_n3A_217 : i32
        %add3A_222 = arith.constant 0 : i32
        %add3A_223 = arith.addi %add3A_222, %mul3A_6 : i32
        %add3A_224 = arith.constant 0 : i32
        %add3A_225 = arith.addi %select_n3A_214, %add3A_224 : i32
        %add3A_226 = arith.constant 1 : i32
        %add3A_227 = arith.addi %scan3A_198, %add3A_226 : i32
        %select_n3A_228 = arith.constant true
        %select_n3A_229 = arith.select %select_n3A_228, %add3A_227, %scan3A_198 : i32
        %eq3A_230 = arith.constant 64 : i32
        %eq3A_231 = arith.cmpi eq, %select_n3A_229, %eq3A_230 : i32
        %select_n3A_232 = arith.constant 0 : i32
        %select_n3A_233 = arith.select %eq3A_231, %select_n3A_232, %select_n3A_229 : i32
        %select_n3A_234 = arith.constant 0 : i32
        %select_n3A_235 = arith.constant 1 : i32
        %select_n3A_236 = arith.select %eq3A_231, %select_n3A_235, %select_n3A_234 : i32
        %eq3A_237 = arith.constant 1 : i32
        %eq3A_238 = arith.cmpi eq, %select_n3A_236, %eq3A_237 : i32
        %select_n3A_239 = arith.constant 0 : i32
        %select_n3A_240 = arith.select %eq3A_238, %select_n3A_239, %select_n3A_236 : i32
        %add3A_241 = arith.constant 0 : i32
        %add3A_242 = arith.addi %add3A_241, %mul3A_6 : i32
        %add3A_243 = arith.constant 0 : i32
        %add3A_244 = arith.addi %select_n3A_233, %add3A_243 : i32
        %add3A_245 = arith.constant 1 : i32
        %add3A_246 = arith.addi %select_n3A_233, %add3A_245 : i32
        %select_n3A_247 = arith.constant true
        %select_n3A_248 = arith.select %select_n3A_247, %add3A_246, %select_n3A_233 : i32
        %eq3A_249 = arith.constant 64 : i32
        %eq3A_250 = arith.cmpi eq, %select_n3A_248, %eq3A_249 : i32
        %select_n3A_251 = arith.constant 0 : i32
        %select_n3A_252 = arith.select %eq3A_250, %select_n3A_251, %select_n3A_248 : i32
        %select_n3A_253 = arith.constant 0 : i32
        %select_n3A_254 = arith.constant 1 : i32
        %select_n3A_255 = arith.select %eq3A_250, %select_n3A_254, %select_n3A_253 : i32
        %eq3A_256 = arith.constant 1 : i32
        %eq3A_257 = arith.cmpi eq, %select_n3A_255, %eq3A_256 : i32
        %select_n3A_258 = arith.constant 0 : i32
        %select_n3A_259 = arith.select %eq3A_257, %select_n3A_258, %select_n3A_255 : i32
        %add3A_260 = arith.constant 0 : i32
        %add3A_261 = arith.addi %add3A_260, %mul3A_6 : i32
        %add3A_262 = arith.constant 0 : i32
        %add3A_263 = arith.addi %select_n3A_252, %add3A_262 : i32
        %ne3A = arith.cmpi ne, %add3A_204, %add3A_242 : i32
        %ne3A_264 = arith.cmpi ne, %add3A_206, %add3A_244 : i32
        %or3A = arith.constant false
        %or3A_265 = arith.ori %or3A, %ne3A : i1
        %or3A_266 = arith.ori %or3A_265, %ne3A_264 : i1
        %ge3A = arith.constant 63 : i32
        %ge3A_267 = arith.cmpi sge, %scan3A_192, %ge3A : i32
        %not3A = arith.constant true
        %not3A_268 = arith.xori %ge3A_267, %not3A : i1
        %and3A = arith.andi %or3A_266, %not3A_268 : i1
        %convert_element_type3A = arith.extui %and3A : i1 to i32
        %cond3A = arith.constant 0 : i32
        %cond3A_269 = arith.cmpi ne, %convert_element_type3A, %cond3A : i32
        scf.if %cond3A_269 {
          "tpu.trace_start"() <{level = 10 : i32, message = "ep_copy_in"}> : () -> ()
          %rem3A_388 = arith.constant 2 : i32
          %rem3A_389 = arith.remui %scan3A_193, %rem3A_388 : i32
          %mul3A_390 = arith.constant 1 : i32
          %mul3A_391 = arith.muli %mul3A_390, %add3A_242 : i32
          %mul3A_392 = arith.constant 2048 : i32
          %mul3A_393 = arith.muli %mul3A_392, %add3A_244 : i32
          %dma_start3A_394 = arith.constant 0 : i32
          %dma_start3A_395 = arith.constant 0 : i32
          %dma_start3A_396 = tpu.memref_slice %run_scoped3A[%rem3A_389, %dma_start3A_394, %dma_start3A_395] : memref<2x1x2048xf32, #tpu.memory_space<vmem>> -> memref<1x1x2048xf32, #tpu.memory_space<vmem>>
          %dma_start3A_397 = tpu.memref_squeeze %dma_start3A_396 : memref<1x1x2048xf32, #tpu.memory_space<vmem>> -> memref<1x2048xf32, #tpu.memory_space<vmem>>
          %dma_start3A_398 = tpu.memref_slice %arg2[%mul3A_391, %mul3A_393] : memref<32x131072xf32, #tpu.memory_space<hbm>> -> memref<1x2048xf32, #tpu.memory_space<hbm>>
          %dma_start3A_399 = tpu.memref_slice %run_scoped3A_7[%rem3A_389] : memref<2x!tpu.dma_semaphore, #tpu.memory_space<semaphore_mem>> -> memref<1x!tpu.dma_semaphore, #tpu.memory_space<semaphore_mem>>
          %dma_start3A_400 = tpu.memref_squeeze %dma_start3A_399 : memref<1x!tpu.dma_semaphore, #tpu.memory_space<semaphore_mem>> -> memref<!tpu.dma_semaphore, #tpu.memory_space<semaphore_mem>>
          %dma_start3A_401 = arith.constant 0 : i32
          %dma_start3A_402 = arith.constant 0 : i32
          %dma_start3A_403 = tpu.memref_slice %run_scoped3A[%rem3A_389, %dma_start3A_401, %dma_start3A_402] : memref<2x1x2048xf32, #tpu.memory_space<vmem>> -> memref<1x1x2048xf32, #tpu.memory_space<vmem>>
          %dma_start3A_404 = tpu.memref_squeeze %dma_start3A_403 : memref<1x1x2048xf32, #tpu.memory_space<vmem>> -> memref<1x2048xf32, #tpu.memory_space<vmem>>
          %dma_start3A_405 = tpu.memref_slice %arg2[%mul3A_391, %mul3A_393] : memref<32x131072xf32, #tpu.memory_space<hbm>> -> memref<1x2048xf32, #tpu.memory_space<hbm>>
          tpu.enqueue_dma source(%dma_start3A_405 : memref<1x2048xf32, #tpu.memory_space<hbm>>) target(%dma_start3A_404 : memref<1x2048xf32, #tpu.memory_space<vmem>>) target_semaphore(%dma_start3A_400 : memref<!tpu.dma_semaphore, #tpu.memory_space<semaphore_mem>>)
          "tpu.trace_stop"() : () -> ()
        } else {
        }
        %and3A_270 = arith.constant true
        %and3A_271 = arith.andi %and3A, %and3A_270 : i1
        %add3A_272 = arith.constant 1 : i32
        %add3A_273 = arith.addi %scan3A_193, %add3A_272 : i32
        %select_n3A_274 = arith.select %and3A_271, %add3A_273, %scan3A_193 : i32
        %ne3A_275 = arith.cmpi ne, %add3A_204, %add3A_242 : i32
        %ne3A_276 = arith.cmpi ne, %add3A_206, %add3A_244 : i32
        %or3A_277 = arith.constant false
        %or3A_278 = arith.ori %or3A_277, %ne3A_275 : i1
        %or3A_279 = arith.ori %or3A_278, %ne3A_276 : i1
        %ge3A_280 = arith.constant 63 : i32
        %ge3A_281 = arith.cmpi sge, %scan3A_192, %ge3A_280 : i32
        %not3A_282 = arith.constant true
        %not3A_283 = arith.xori %ge3A_281, %not3A_282 : i1
        %and3A_284 = arith.andi %or3A_279, %not3A_283 : i1
        %ne3A_285 = arith.cmpi ne, %add3A_204, %add3A_223 : i32
        %ne3A_286 = arith.cmpi ne, %add3A_206, %add3A_225 : i32
        %or3A_287 = arith.constant false
        %or3A_288 = arith.ori %or3A_287, %ne3A_285 : i1
        %or3A_289 = arith.ori %or3A_288, %ne3A_286 : i1
        %or3A_290 = arith.ori %or3A_289, %eq3A_200 : i1
        %convert_element_type3A_291 = arith.extui %or3A_290 : i1 to i32
        %cond3A_292 = arith.constant 0 : i32
        %cond3A_293 = arith.cmpi ne, %convert_element_type3A_291, %cond3A_292 : i32
        scf.if %cond3A_293 {
          "tpu.trace_start"() <{level = 10 : i32, message = "ep_wait_in"}> : () -> ()
          %mul3A_388 = arith.constant 1 : i32
          %mul3A_389 = arith.muli %mul3A_388, %add3A_204 : i32
          %mul3A_390 = arith.constant 2048 : i32
          %mul3A_391 = arith.muli %mul3A_390, %add3A_206 : i32
          %rem3A_392 = arith.constant 2 : i32
          %rem3A_393 = arith.remui %scan3A_194, %rem3A_392 : i32
          %dma_wait3A_394 = arith.constant 0 : i32
          %dma_wait3A_395 = arith.constant 0 : i32
          %dma_wait3A_396 = tpu.memref_slice %run_scoped3A[%rem3A_393, %dma_wait3A_394, %dma_wait3A_395] : memref<2x1x2048xf32, #tpu.memory_space<vmem>> -> memref<1x1x2048xf32, #tpu.memory_space<vmem>>
          %dma_wait3A_397 = tpu.memref_squeeze %dma_wait3A_396 : memref<1x1x2048xf32, #tpu.memory_space<vmem>> -> memref<1x2048xf32, #tpu.memory_space<vmem>>
          %dma_wait3A_398 = tpu.memref_slice %arg2[%mul3A_389, %mul3A_391] : memref<32x131072xf32, #tpu.memory_space<hbm>> -> memref<1x2048xf32, #tpu.memory_space<hbm>>
          %dma_wait3A_399 = tpu.memref_slice %run_scoped3A_7[%rem3A_393] : memref<2x!tpu.dma_semaphore, #tpu.memory_space<semaphore_mem>> -> memref<1x!tpu.dma_semaphore, #tpu.memory_space<semaphore_mem>>
          %dma_wait3A_400 = tpu.memref_squeeze %dma_wait3A_399 : memref<1x!tpu.dma_semaphore, #tpu.memory_space<semaphore_mem>> -> memref<!tpu.dma_semaphore, #tpu.memory_space<semaphore_mem>>
          %dma_wait3A_401 = arith.constant 0 : i32
          %dma_wait3A_402 = arith.constant 0 : i32
          %dma_wait3A_403 = tpu.memref_slice %run_scoped3A[%rem3A_393, %dma_wait3A_401, %dma_wait3A_402] : memref<2x1x2048xf32, #tpu.memory_space<vmem>> -> memref<1x1x2048xf32, #tpu.memory_space<vmem>>
          %dma_wait3A_404 = tpu.memref_squeeze %dma_wait3A_403 : memref<1x1x2048xf32, #tpu.memory_space<vmem>> -> memref<1x2048xf32, #tpu.memory_space<vmem>>
          %dma_wait3A_405 = tpu.memref_slice %arg2[%mul3A_389, %mul3A_391] : memref<32x131072xf32, #tpu.memory_space<hbm>> -> memref<1x2048xf32, #tpu.memory_space<hbm>>
          tpu.wait_dma2 semaphore(%dma_wait3A_400 : memref<!tpu.dma_semaphore, #tpu.memory_space<semaphore_mem>>) src(%dma_wait3A_405 : memref<1x2048xf32, #tpu.memory_space<hbm>>) dst(%dma_wait3A_404 : memref<1x2048xf32, #tpu.memory_space<vmem>>)
          "tpu.trace_stop"() : () -> ()
        } else {
        }
        %ne3A_294 = arith.cmpi ne, %add3A_204, %add3A_223 : i32
        %ne3A_295 = arith.cmpi ne, %add3A_206, %add3A_225 : i32
        %or3A_296 = arith.constant false
        %or3A_297 = arith.ori %or3A_296, %ne3A_294 : i1
        %or3A_298 = arith.ori %or3A_297, %ne3A_295 : i1
        %or3A_299 = arith.ori %or3A_298, %eq3A_200 : i1
        %convert_element_type3A_300 = arith.extui %or3A_299 : i1 to i32
        %cond3A_301 = arith.constant 0 : i32
        %cond3A_302 = arith.cmpi ne, %convert_element_type3A_300, %cond3A_301 : i32
        scf.if %cond3A_302 {
        } else {
        }
        %rem3A_303 = arith.constant 2 : i32
        %rem3A_304 = arith.remui %scan3A_194, %rem3A_303 : i32
        %rem3A_305 = arith.constant 2 : i32
        %rem3A_306 = arith.remui %scan3A_195, %rem3A_305 : i32
        %parallel_loop3A = arith.constant 0 : i32
        %parallel_loop3A_307 = arith.constant 2048 : i32
        %parallel_loop3A_308 = arith.constant 16 : i32
        "tpu.trace_start"() <{level = 10 : i32, message = "ep_run_kernel"}> : () -> ()
        scf.for %parallel_loop3A_388 = %parallel_loop3A to %parallel_loop3A_307 step %parallel_loop3A_308  : i32 {
          %parallel_loop3A_389 = arith.constant 0 : i32
          %parallel_loop3A_390 = arith.constant 0 : i32
          %parallel_loop3A_391 = arith.constant 0 : i32
          %parallel_loop3A_392 = tpu.memref_slice %run_scoped3A[%rem3A_304, %parallel_loop3A_390, %parallel_loop3A_391] : memref<2x1x2048xf32, #tpu.memory_space<vmem>> -> memref<1x1x2048xf32, #tpu.memory_space<vmem>>
          %parallel_loop3A_393 = tpu.memref_squeeze %parallel_loop3A_392 : memref<1x1x2048xf32, #tpu.memory_space<vmem>> -> memref<1x2048xf32, #tpu.memory_space<vmem>>
          %parallel_loop3A_394 = arith.index_cast %parallel_loop3A_389 : i32 to index
          %parallel_loop3A_395 = arith.index_cast %parallel_loop3A_388 : i32 to index
          %parallel_loop3A_396 = tpu.vector_load %parallel_loop3A_393[%parallel_loop3A_394, %parallel_loop3A_395] {strides = array<i32>} : memref<1x2048xf32, #tpu.memory_space<vmem>>, vector<1x16xf32>,
          %parallel_loop3A_397 = vector.shape_cast %parallel_loop3A_396 : vector<1x16xf32> to vector<16xf32>
          %parallel_loop3A_398 = arith.constant 2.66666675 : f32
          %parallel_loop3A_399 = vector.broadcast %parallel_loop3A_398 : f32 to vector<16xf32>
          %parallel_loop3A_400 = arith.mulf %parallel_loop3A_397, %parallel_loop3A_399 : vector<16xf32>
          %parallel_loop3A_401 = arith.constant 8.000000e+00 : f32
          %parallel_loop3A_402 = vector.broadcast %parallel_loop3A_401 : f32 to vector<16xf32>
          %parallel_loop3A_403 = arith.addf %parallel_loop3A_400, %parallel_loop3A_402 : vector<16xf32>
          %parallel_loop3A_404 = arith.constant 0.000000e+00 : f32
          %parallel_loop3A_405 = vector.broadcast %parallel_loop3A_404 : f32 to vector<16xf32>
          %parallel_loop3A_406 = arith.subf %parallel_loop3A_403, %parallel_loop3A_405 : vector<16xf32>
          %parallel_loop3A_407 = arith.constant 1.000000e+00 : f32
          %parallel_loop3A_408 = vector.broadcast %parallel_loop3A_407 : f32 to vector<16xf32>
          %parallel_loop3A_409 = arith.minimumf %parallel_loop3A_406, %parallel_loop3A_408 : vector<16xf32>
          %parallel_loop3A_410 = arith.constant 0 : i32
          %parallel_loop3A_411 = arith.constant 0 : i32
          %parallel_loop3A_412 = arith.constant 0 : i32
          %parallel_loop3A_413 = tpu.memref_slice %run_scoped3A_8[%rem3A_306, %parallel_loop3A_411, %parallel_loop3A_412] : memref<2x16x2048xf32, #tpu.memory_space<vmem>> -> memref<1x16x2048xf32, #tpu.memory_space<vmem>>
          %parallel_loop3A_414 = tpu.memref_squeeze %parallel_loop3A_413 : memref<1x16x2048xf32, #tpu.memory_space<vmem>> -> memref<16x2048xf32, #tpu.memory_space<vmem>>
          %parallel_loop3A_415 = arith.index_cast %parallel_loop3A_410 : i32 to index
          %parallel_loop3A_416 = arith.index_cast %parallel_loop3A_388 : i32 to index
          %parallel_loop3A_417 = tpu.vector_load %parallel_loop3A_414[%parallel_loop3A_415, %parallel_loop3A_416] {strides = array<i32>} : memref<16x2048xf32, #tpu.memory_space<vmem>>, vector<1x16xf32>,
          %parallel_loop3A_418 = vector.shape_cast %parallel_loop3A_417 : vector<1x16xf32> to vector<16xf32>
          %parallel_loop3A_419 = vector.shape_cast %parallel_loop3A_409 : vector<16xf32> to vector<1x16xf32>
          tpu.vector_store %parallel_loop3A_414[%parallel_loop3A_415, %parallel_loop3A_416], %parallel_loop3A_419 {strides = array<i32>} : memref<16x2048xf32, #tpu.memory_space<vmem>>, vector<1x16xf32>,
          %parallel_loop3A_420 = arith.constant 1.000000e+00 : f32
          %parallel_loop3A_421 = vector.broadcast %parallel_loop3A_420 : f32 to vector<16xf32>
          %parallel_loop3A_422 = arith.subf %parallel_loop3A_403, %parallel_loop3A_421 : vector<16xf32>
          %parallel_loop3A_423 = arith.constant 1.000000e+00 : f32
          %parallel_loop3A_424 = vector.broadcast %parallel_loop3A_423 : f32 to vector<16xf32>
          %parallel_loop3A_425 = arith.minimumf %parallel_loop3A_422, %parallel_loop3A_424 : vector<16xf32>
          %parallel_loop3A_426 = arith.constant 0.000000e+00 : f32
          %parallel_loop3A_427 = vector.broadcast %parallel_loop3A_426 : f32 to vector<16xf32>
          %parallel_loop3A_428 = arith.maximumf %parallel_loop3A_425, %parallel_loop3A_427 : vector<16xf32>
          %parallel_loop3A_429 = arith.constant 1 : i32
          %parallel_loop3A_430 = arith.constant 0 : i32
          %parallel_loop3A_431 = arith.constant 0 : i32
          %parallel_loop3A_432 = tpu.memref_slice %run_scoped3A_8[%rem3A_306, %parallel_loop3A_430, %parallel_loop3A_431] : memref<2x16x2048xf32, #tpu.memory_space<vmem>> -> memref<1x16x2048xf32, #tpu.memory_space<vmem>>
          %parallel_loop3A_433 = tpu.memref_squeeze %parallel_loop3A_432 : memref<1x16x2048xf32, #tpu.memory_space<vmem>> -> memref<16x2048xf32, #tpu.memory_space<vmem>>
          %parallel_loop3A_434 = arith.index_cast %parallel_loop3A_429 : i32 to index
          %parallel_loop3A_435 = arith.index_cast %parallel_loop3A_388 : i32 to index
          %parallel_loop3A_436 = tpu.vector_load %parallel_loop3A_433[%parallel_loop3A_434, %parallel_loop3A_435] {strides = array<i32>} : memref<16x2048xf32, #tpu.memory_space<vmem>>, vector<1x16xf32>,
          %parallel_loop3A_437 = vector.shape_cast %parallel_loop3A_436 : vector<1x16xf32> to vector<16xf32>
          %parallel_loop3A_438 = vector.shape_cast %parallel_loop3A_428 : vector<16xf32> to vector<1x16xf32>
          tpu.vector_store %parallel_loop3A_433[%parallel_loop3A_434, %parallel_loop3A_435], %parallel_loop3A_438 {strides = array<i32>} : memref<16x2048xf32, #tpu.memory_space<vmem>>, vector<1x16xf32>,
          %parallel_loop3A_439 = arith.constant 2.000000e+00 : f32
          %parallel_loop3A_440 = vector.broadcast %parallel_loop3A_439 : f32 to vector<16xf32>
          %parallel_loop3A_441 = arith.subf %parallel_loop3A_403, %parallel_loop3A_440 : vector<16xf32>
          %parallel_loop3A_442 = arith.constant 1.000000e+00 : f32
          %parallel_loop3A_443 = vector.broadcast %parallel_loop3A_442 : f32 to vector<16xf32>
          %parallel_loop3A_444 = arith.minimumf %parallel_loop3A_441, %parallel_loop3A_443 : vector<16xf32>
          %parallel_loop3A_445 = arith.constant 0.000000e+00 : f32
          %parallel_loop3A_446 = vector.broadcast %parallel_loop3A_445 : f32 to vector<16xf32>
          %parallel_loop3A_447 = arith.maximumf %parallel_loop3A_444, %parallel_loop3A_446 : vector<16xf32>
          %parallel_loop3A_448 = arith.constant 2 : i32
          %parallel_loop3A_449 = arith.constant 0 : i32
          %parallel_loop3A_450 = arith.constant 0 : i32
          %parallel_loop3A_451 = tpu.memref_slice %run_scoped3A_8[%rem3A_306, %parallel_loop3A_449, %parallel_loop3A_450] : memref<2x16x2048xf32, #tpu.memory_space<vmem>> -> memref<1x16x2048xf32, #tpu.memory_space<vmem>>
          %parallel_loop3A_452 = tpu.memref_squeeze %parallel_loop3A_451 : memref<1x16x2048xf32, #tpu.memory_space<vmem>> -> memref<16x2048xf32, #tpu.memory_space<vmem>>
          %parallel_loop3A_453 = arith.index_cast %parallel_loop3A_448 : i32 to index
          %parallel_loop3A_454 = arith.index_cast %parallel_loop3A_388 : i32 to index
          %parallel_loop3A_455 = tpu.vector_load %parallel_loop3A_452[%parallel_loop3A_453, %parallel_loop3A_454] {strides = array<i32>} : memref<16x2048xf32, #tpu.memory_space<vmem>>, vector<1x16xf32>,
          %parallel_loop3A_456 = vector.shape_cast %parallel_loop3A_455 : vector<1x16xf32> to vector<16xf32>
          %parallel_loop3A_457 = vector.shape_cast %parallel_loop3A_447 : vector<16xf32> to vector<1x16xf32>
          tpu.vector_store %parallel_loop3A_452[%parallel_loop3A_453, %parallel_loop3A_454], %parallel_loop3A_457 {strides = array<i32>} : memref<16x2048xf32, #tpu.memory_space<vmem>>, vector<1x16xf32>,
          %parallel_loop3A_458 = arith.constant 3.000000e+00 : f32
          %parallel_loop3A_459 = vector.broadcast %parallel_loop3A_458 : f32 to vector<16xf32>
          %parallel_loop3A_460 = arith.subf %parallel_loop3A_403, %parallel_loop3A_459 : vector<16xf32>
          %parallel_loop3A_461 = arith.constant 1.000000e+00 : f32
          %parallel_loop3A_462 = vector.broadcast %parallel_loop3A_461 : f32 to vector<16xf32>
          %parallel_loop3A_463 = arith.minimumf %parallel_loop3A_460, %parallel_loop3A_462 : vector<16xf32>
          %parallel_loop3A_464 = arith.constant 0.000000e+00 : f32
          %parallel_loop3A_465 = vector.broadcast %parallel_loop3A_464 : f32 to vector<16xf32>
          %parallel_loop3A_466 = arith.maximumf %parallel_loop3A_463, %parallel_loop3A_465 : vector<16xf32>
          %parallel_loop3A_467 = arith.constant 3 : i32
          %parallel_loop3A_468 = arith.constant 0 : i32
          %parallel_loop3A_469 = arith.constant 0 : i32
          %parallel_loop3A_470 = tpu.memref_slice %run_scoped3A_8[%rem3A_306, %parallel_loop3A_468, %parallel_loop3A_469] : memref<2x16x2048xf32, #tpu.memory_space<vmem>> -> memref<1x16x2048xf32, #tpu.memory_space<vmem>>
          %parallel_loop3A_471 = tpu.memref_squeeze %parallel_loop3A_470 : memref<1x16x2048xf32, #tpu.memory_space<vmem>> -> memref<16x2048xf32, #tpu.memory_space<vmem>>
          %parallel_loop3A_472 = arith.index_cast %parallel_loop3A_467 : i32 to index
          %parallel_loop3A_473 = arith.index_cast %parallel_loop3A_388 : i32 to index
          %parallel_loop3A_474 = tpu.vector_load %parallel_loop3A_471[%parallel_loop3A_472, %parallel_loop3A_473] {strides = array<i32>} : memref<16x2048xf32, #tpu.memory_space<vmem>>, vector<1x16xf32>,
          %parallel_loop3A_475 = vector.shape_cast %parallel_loop3A_474 : vector<1x16xf32> to vector<16xf32>
          %parallel_loop3A_476 = vector.shape_cast %parallel_loop3A_466 : vector<16xf32> to vector<1x16xf32>
          tpu.vector_store %parallel_loop3A_471[%parallel_loop3A_472, %parallel_loop3A_473], %parallel_loop3A_476 {strides = array<i32>} : memref<16x2048xf32, #tpu.memory_space<vmem>>, vector<1x16xf32>,
          %parallel_loop3A_477 = arith.constant 4.000000e+00 : f32
          %parallel_loop3A_478 = vector.broadcast %parallel_loop3A_477 : f32 to vector<16xf32>
          %parallel_loop3A_479 = arith.subf %parallel_loop3A_403, %parallel_loop3A_478 : vector<16xf32>
          %parallel_loop3A_480 = arith.constant 1.000000e+00 : f32
          %parallel_loop3A_481 = vector.broadcast %parallel_loop3A_480 : f32 to vector<16xf32>
          %parallel_loop3A_482 = arith.minimumf %parallel_loop3A_479, %parallel_loop3A_481 : vector<16xf32>
          %parallel_loop3A_483 = arith.constant 0.000000e+00 : f32
          %parallel_loop3A_484 = vector.broadcast %parallel_loop3A_483 : f32 to vector<16xf32>
          %parallel_loop3A_485 = arith.maximumf %parallel_loop3A_482, %parallel_loop3A_484 : vector<16xf32>
          %parallel_loop3A_486 = arith.constant 4 : i32
          %parallel_loop3A_487 = arith.constant 0 : i32
          %parallel_loop3A_488 = arith.constant 0 : i32
          %parallel_loop3A_489 = tpu.memref_slice %run_scoped3A_8[%rem3A_306, %parallel_loop3A_487, %parallel_loop3A_488] : memref<2x16x2048xf32, #tpu.memory_space<vmem>> -> memref<1x16x2048xf32, #tpu.memory_space<vmem>>
          %parallel_loop3A_490 = tpu.memref_squeeze %parallel_loop3A_489 : memref<1x16x2048xf32, #tpu.memory_space<vmem>> -> memref<16x2048xf32, #tpu.memory_space<vmem>>
          %parallel_loop3A_491 = arith.index_cast %parallel_loop3A_486 : i32 to index
          %parallel_loop3A_492 = arith.index_cast %parallel_loop3A_388 : i32 to index
          %parallel_loop3A_493 = tpu.vector_load %parallel_loop3A_490[%parallel_loop3A_491, %parallel_loop3A_492] {strides = array<i32>} : memref<16x2048xf32, #tpu.memory_space<vmem>>, vector<1x16xf32>,
          %parallel_loop3A_494 = vector.shape_cast %parallel_loop3A_493 : vector<1x16xf32> to vector<16xf32>
          %parallel_loop3A_495 = vector.shape_cast %parallel_loop3A_485 : vector<16xf32> to vector<1x16xf32>
          tpu.vector_store %parallel_loop3A_490[%parallel_loop3A_491, %parallel_loop3A_492], %parallel_loop3A_495 {strides = array<i32>} : memref<16x2048xf32, #tpu.memory_space<vmem>>, vector<1x16xf32>,
          %parallel_loop3A_496 = arith.constant 5.000000e+00 : f32
          %parallel_loop3A_497 = vector.broadcast %parallel_loop3A_496 : f32 to vector<16xf32>
          %parallel_loop3A_498 = arith.subf %parallel_loop3A_403, %parallel_loop3A_497 : vector<16xf32>
          %parallel_loop3A_499 = arith.constant 1.000000e+00 : f32
          %parallel_loop3A_500 = vector.broadcast %parallel_loop3A_499 : f32 to vector<16xf32>
          %parallel_loop3A_501 = arith.minimumf %parallel_loop3A_498, %parallel_loop3A_500 : vector<16xf32>
          %parallel_loop3A_502 = arith.constant 0.000000e+00 : f32
          %parallel_loop3A_503 = vector.broadcast %parallel_loop3A_502 : f32 to vector<16xf32>
          %parallel_loop3A_504 = arith.maximumf %parallel_loop3A_501, %parallel_loop3A_503 : vector<16xf32>
          %parallel_loop3A_505 = arith.constant 5 : i32
          %parallel_loop3A_506 = arith.constant 0 : i32
          %parallel_loop3A_507 = arith.constant 0 : i32
          %parallel_loop3A_508 = tpu.memref_slice %run_scoped3A_8[%rem3A_306, %parallel_loop3A_506, %parallel_loop3A_507] : memref<2x16x2048xf32, #tpu.memory_space<vmem>> -> memref<1x16x2048xf32, #tpu.memory_space<vmem>>
          %parallel_loop3A_509 = tpu.memref_squeeze %parallel_loop3A_508 : memref<1x16x2048xf32, #tpu.memory_space<vmem>> -> memref<16x2048xf32, #tpu.memory_space<vmem>>
          %parallel_loop3A_510 = arith.index_cast %parallel_loop3A_505 : i32 to index
          %parallel_loop3A_511 = arith.index_cast %parallel_loop3A_388 : i32 to index
          %parallel_loop3A_512 = tpu.vector_load %parallel_loop3A_509[%parallel_loop3A_510, %parallel_loop3A_511] {strides = array<i32>} : memref<16x2048xf32, #tpu.memory_space<vmem>>, vector<1x16xf32>,
          %parallel_loop3A_513 = vector.shape_cast %parallel_loop3A_512 : vector<1x16xf32> to vector<16xf32>
          %parallel_loop3A_514 = vector.shape_cast %parallel_loop3A_504 : vector<16xf32> to vector<1x16xf32>
          tpu.vector_store %parallel_loop3A_509[%parallel_loop3A_510, %parallel_loop3A_511], %parallel_loop3A_514 {strides = array<i32>} : memref<16x2048xf32, #tpu.memory_space<vmem>>, vector<1x16xf32>,
          %parallel_loop3A_515 = arith.constant 6.000000e+00 : f32
          %parallel_loop3A_516 = vector.broadcast %parallel_loop3A_515 : f32 to vector<16xf32>
          %parallel_loop3A_517 = arith.subf %parallel_loop3A_403, %parallel_loop3A_516 : vector<16xf32>
          %parallel_loop3A_518 = arith.constant 1.000000e+00 : f32
          %parallel_loop3A_519 = vector.broadcast %parallel_loop3A_518 : f32 to vector<16xf32>
          %parallel_loop3A_520 = arith.minimumf %parallel_loop3A_517, %parallel_loop3A_519 : vector<16xf32>
          %parallel_loop3A_521 = arith.constant 0.000000e+00 : f32
          %parallel_loop3A_522 = vector.broadcast %parallel_loop3A_521 : f32 to vector<16xf32>
          %parallel_loop3A_523 = arith.maximumf %parallel_loop3A_520, %parallel_loop3A_522 : vector<16xf32>
          %parallel_loop3A_524 = arith.constant 6 : i32
          %parallel_loop3A_525 = arith.constant 0 : i32
          %parallel_loop3A_526 = arith.constant 0 : i32
          %parallel_loop3A_527 = tpu.memref_slice %run_scoped3A_8[%rem3A_306, %parallel_loop3A_525, %parallel_loop3A_526] : memref<2x16x2048xf32, #tpu.memory_space<vmem>> -> memref<1x16x2048xf32, #tpu.memory_space<vmem>>
          %parallel_loop3A_528 = tpu.memref_squeeze %parallel_loop3A_527 : memref<1x16x2048xf32, #tpu.memory_space<vmem>> -> memref<16x2048xf32, #tpu.memory_space<vmem>>
          %parallel_loop3A_529 = arith.index_cast %parallel_loop3A_524 : i32 to index
          %parallel_loop3A_530 = arith.index_cast %parallel_loop3A_388 : i32 to index
          %parallel_loop3A_531 = tpu.vector_load %parallel_loop3A_528[%parallel_loop3A_529, %parallel_loop3A_530] {strides = array<i32>} : memref<16x2048xf32, #tpu.memory_space<vmem>>, vector<1x16xf32>,
          %parallel_loop3A_532 = vector.shape_cast %parallel_loop3A_531 : vector<1x16xf32> to vector<16xf32>
          %parallel_loop3A_533 = vector.shape_cast %parallel_loop3A_523 : vector<16xf32> to vector<1x16xf32>
          tpu.vector_store %parallel_loop3A_528[%parallel_loop3A_529, %parallel_loop3A_530], %parallel_loop3A_533 {strides = array<i32>} : memref<16x2048xf32, #tpu.memory_space<vmem>>, vector<1x16xf32>,
          %parallel_loop3A_534 = arith.constant 7.000000e+00 : f32
          %parallel_loop3A_535 = vector.broadcast %parallel_loop3A_534 : f32 to vector<16xf32>
          %parallel_loop3A_536 = arith.subf %parallel_loop3A_403, %parallel_loop3A_535 : vector<16xf32>
          %parallel_loop3A_537 = arith.constant 1.000000e+00 : f32
          %parallel_loop3A_538 = vector.broadcast %parallel_loop3A_537 : f32 to vector<16xf32>
          %parallel_loop3A_539 = arith.minimumf %parallel_loop3A_536, %parallel_loop3A_538 : vector<16xf32>
          %parallel_loop3A_540 = arith.constant 0.000000e+00 : f32
          %parallel_loop3A_541 = vector.broadcast %parallel_loop3A_540 : f32 to vector<16xf32>
          %parallel_loop3A_542 = arith.maximumf %parallel_loop3A_539, %parallel_loop3A_541 : vector<16xf32>
          %parallel_loop3A_543 = arith.constant 7 : i32
          %parallel_loop3A_544 = arith.constant 0 : i32
          %parallel_loop3A_545 = arith.constant 0 : i32
          %parallel_loop3A_546 = tpu.memref_slice %run_scoped3A_8[%rem3A_306, %parallel_loop3A_544, %parallel_loop3A_545] : memref<2x16x2048xf32, #tpu.memory_space<vmem>> -> memref<1x16x2048xf32, #tpu.memory_space<vmem>>
          %parallel_loop3A_547 = tpu.memref_squeeze %parallel_loop3A_546 : memref<1x16x2048xf32, #tpu.memory_space<vmem>> -> memref<16x2048xf32, #tpu.memory_space<vmem>>
          %parallel_loop3A_548 = arith.index_cast %parallel_loop3A_543 : i32 to index
          %parallel_loop3A_549 = arith.index_cast %parallel_loop3A_388 : i32 to index
          %parallel_loop3A_550 = tpu.vector_load %parallel_loop3A_547[%parallel_loop3A_548, %parallel_loop3A_549] {strides = array<i32>} : memref<16x2048xf32, #tpu.memory_space<vmem>>, vector<1x16xf32>,
          %parallel_loop3A_551 = vector.shape_cast %parallel_loop3A_550 : vector<1x16xf32> to vector<16xf32>
          %parallel_loop3A_552 = vector.shape_cast %parallel_loop3A_542 : vector<16xf32> to vector<1x16xf32>
          tpu.vector_store %parallel_loop3A_547[%parallel_loop3A_548, %parallel_loop3A_549], %parallel_loop3A_552 {strides = array<i32>} : memref<16x2048xf32, #tpu.memory_space<vmem>>, vector<1x16xf32>,
          %parallel_loop3A_553 = arith.constant 8.000000e+00 : f32
          %parallel_loop3A_554 = vector.broadcast %parallel_loop3A_553 : f32 to vector<16xf32>
          %parallel_loop3A_555 = arith.subf %parallel_loop3A_403, %parallel_loop3A_554 : vector<16xf32>
          %parallel_loop3A_556 = arith.constant 1.000000e+00 : f32
          %parallel_loop3A_557 = vector.broadcast %parallel_loop3A_556 : f32 to vector<16xf32>
          %parallel_loop3A_558 = arith.minimumf %parallel_loop3A_555, %parallel_loop3A_557 : vector<16xf32>
          %parallel_loop3A_559 = arith.constant 0.000000e+00 : f32
          %parallel_loop3A_560 = vector.broadcast %parallel_loop3A_559 : f32 to vector<16xf32>
          %parallel_loop3A_561 = arith.maximumf %parallel_loop3A_558, %parallel_loop3A_560 : vector<16xf32>
          %parallel_loop3A_562 = arith.constant 8 : i32
          %parallel_loop3A_563 = arith.constant 0 : i32
          %parallel_loop3A_564 = arith.constant 0 : i32
          %parallel_loop3A_565 = tpu.memref_slice %run_scoped3A_8[%rem3A_306, %parallel_loop3A_563, %parallel_loop3A_564] : memref<2x16x2048xf32, #tpu.memory_space<vmem>> -> memref<1x16x2048xf32, #tpu.memory_space<vmem>>
          %parallel_loop3A_566 = tpu.memref_squeeze %parallel_loop3A_565 : memref<1x16x2048xf32, #tpu.memory_space<vmem>> -> memref<16x2048xf32, #tpu.memory_space<vmem>>
          %parallel_loop3A_567 = arith.index_cast %parallel_loop3A_562 : i32 to index
          %parallel_loop3A_568 = arith.index_cast %parallel_loop3A_388 : i32 to index
          %parallel_loop3A_569 = tpu.vector_load %parallel_loop3A_566[%parallel_loop3A_567, %parallel_loop3A_568] {strides = array<i32>} : memref<16x2048xf32, #tpu.memory_space<vmem>>, vector<1x16xf32>,
          %parallel_loop3A_570 = vector.shape_cast %parallel_loop3A_569 : vector<1x16xf32> to vector<16xf32>
          %parallel_loop3A_571 = vector.shape_cast %parallel_loop3A_561 : vector<16xf32> to vector<1x16xf32>
          tpu.vector_store %parallel_loop3A_566[%parallel_loop3A_567, %parallel_loop3A_568], %parallel_loop3A_571 {strides = array<i32>} : memref<16x2048xf32, #tpu.memory_space<vmem>>, vector<1x16xf32>,
          %parallel_loop3A_572 = arith.constant 9.000000e+00 : f32
          %parallel_loop3A_573 = vector.broadcast %parallel_loop3A_572 : f32 to vector<16xf32>
          %parallel_loop3A_574 = arith.subf %parallel_loop3A_403, %parallel_loop3A_573 : vector<16xf32>
          %parallel_loop3A_575 = arith.constant 1.000000e+00 : f32
          %parallel_loop3A_576 = vector.broadcast %parallel_loop3A_575 : f32 to vector<16xf32>
          %parallel_loop3A_577 = arith.minimumf %parallel_loop3A_574, %parallel_loop3A_576 : vector<16xf32>
          %parallel_loop3A_578 = arith.constant 0.000000e+00 : f32
          %parallel_loop3A_579 = vector.broadcast %parallel_loop3A_578 : f32 to vector<16xf32>
          %parallel_loop3A_580 = arith.maximumf %parallel_loop3A_577, %parallel_loop3A_579 : vector<16xf32>
          %parallel_loop3A_581 = arith.constant 9 : i32
          %parallel_loop3A_582 = arith.constant 0 : i32
          %parallel_loop3A_583 = arith.constant 0 : i32
          %parallel_loop3A_584 = tpu.memref_slice %run_scoped3A_8[%rem3A_306, %parallel_loop3A_582, %parallel_loop3A_583] : memref<2x16x2048xf32, #tpu.memory_space<vmem>> -> memref<1x16x2048xf32, #tpu.memory_space<vmem>>
          %parallel_loop3A_585 = tpu.memref_squeeze %parallel_loop3A_584 : memref<1x16x2048xf32, #tpu.memory_space<vmem>> -> memref<16x2048xf32, #tpu.memory_space<vmem>>
          %parallel_loop3A_586 = arith.index_cast %parallel_loop3A_581 : i32 to index
          %parallel_loop3A_587 = arith.index_cast %parallel_loop3A_388 : i32 to index
          %parallel_loop3A_588 = tpu.vector_load %parallel_loop3A_585[%parallel_loop3A_586, %parallel_loop3A_587] {strides = array<i32>} : memref<16x2048xf32, #tpu.memory_space<vmem>>, vector<1x16xf32>,
          %parallel_loop3A_589 = vector.shape_cast %parallel_loop3A_588 : vector<1x16xf32> to vector<16xf32>
          %parallel_loop3A_590 = vector.shape_cast %parallel_loop3A_580 : vector<16xf32> to vector<1x16xf32>
          tpu.vector_store %parallel_loop3A_585[%parallel_loop3A_586, %parallel_loop3A_587], %parallel_loop3A_590 {strides = array<i32>} : memref<16x2048xf32, #tpu.memory_space<vmem>>, vector<1x16xf32>,
          %parallel_loop3A_591 = arith.constant 1.000000e+01 : f32
          %parallel_loop3A_592 = vector.broadcast %parallel_loop3A_591 : f32 to vector<16xf32>
          %parallel_loop3A_593 = arith.subf %parallel_loop3A_403, %parallel_loop3A_592 : vector<16xf32>
          %parallel_loop3A_594 = arith.constant 1.000000e+00 : f32
          %parallel_loop3A_595 = vector.broadcast %parallel_loop3A_594 : f32 to vector<16xf32>
          %parallel_loop3A_596 = arith.minimumf %parallel_loop3A_593, %parallel_loop3A_595 : vector<16xf32>
          %parallel_loop3A_597 = arith.constant 0.000000e+00 : f32
          %parallel_loop3A_598 = vector.broadcast %parallel_loop3A_597 : f32 to vector<16xf32>
          %parallel_loop3A_599 = arith.maximumf %parallel_loop3A_596, %parallel_loop3A_598 : vector<16xf32>
          %parallel_loop3A_600 = arith.constant 10 : i32
          %parallel_loop3A_601 = arith.constant 0 : i32
          %parallel_loop3A_602 = arith.constant 0 : i32
          %parallel_loop3A_603 = tpu.memref_slice %run_scoped3A_8[%rem3A_306, %parallel_loop3A_601, %parallel_loop3A_602] : memref<2x16x2048xf32, #tpu.memory_space<vmem>> -> memref<1x16x2048xf32, #tpu.memory_space<vmem>>
          %parallel_loop3A_604 = tpu.memref_squeeze %parallel_loop3A_603 : memref<1x16x2048xf32, #tpu.memory_space<vmem>> -> memref<16x2048xf32, #tpu.memory_space<vmem>>
          %parallel_loop3A_605 = arith.index_cast %parallel_loop3A_600 : i32 to index
          %parallel_loop3A_606 = arith.index_cast %parallel_loop3A_388 : i32 to index
          %parallel_loop3A_607 = tpu.vector_load %parallel_loop3A_604[%parallel_loop3A_605, %parallel_loop3A_606] {strides = array<i32>} : memref<16x2048xf32, #tpu.memory_space<vmem>>, vector<1x16xf32>,
          %parallel_loop3A_608 = vector.shape_cast %parallel_loop3A_607 : vector<1x16xf32> to vector<16xf32>
          %parallel_loop3A_609 = vector.shape_cast %parallel_loop3A_599 : vector<16xf32> to vector<1x16xf32>
          tpu.vector_store %parallel_loop3A_604[%parallel_loop3A_605, %parallel_loop3A_606], %parallel_loop3A_609 {strides = array<i32>} : memref<16x2048xf32, #tpu.memory_space<vmem>>, vector<1x16xf32>,
          %parallel_loop3A_610 = arith.constant 1.100000e+01 : f32
          %parallel_loop3A_611 = vector.broadcast %parallel_loop3A_610 : f32 to vector<16xf32>
          %parallel_loop3A_612 = arith.subf %parallel_loop3A_403, %parallel_loop3A_611 : vector<16xf32>
          %parallel_loop3A_613 = arith.constant 1.000000e+00 : f32
          %parallel_loop3A_614 = vector.broadcast %parallel_loop3A_613 : f32 to vector<16xf32>
          %parallel_loop3A_615 = arith.minimumf %parallel_loop3A_612, %parallel_loop3A_614 : vector<16xf32>
          %parallel_loop3A_616 = arith.constant 0.000000e+00 : f32
          %parallel_loop3A_617 = vector.broadcast %parallel_loop3A_616 : f32 to vector<16xf32>
          %parallel_loop3A_618 = arith.maximumf %parallel_loop3A_615, %parallel_loop3A_617 : vector<16xf32>
          %parallel_loop3A_619 = arith.constant 11 : i32
          %parallel_loop3A_620 = arith.constant 0 : i32
          %parallel_loop3A_621 = arith.constant 0 : i32
          %parallel_loop3A_622 = tpu.memref_slice %run_scoped3A_8[%rem3A_306, %parallel_loop3A_620, %parallel_loop3A_621] : memref<2x16x2048xf32, #tpu.memory_space<vmem>> -> memref<1x16x2048xf32, #tpu.memory_space<vmem>>
          %parallel_loop3A_623 = tpu.memref_squeeze %parallel_loop3A_622 : memref<1x16x2048xf32, #tpu.memory_space<vmem>> -> memref<16x2048xf32, #tpu.memory_space<vmem>>
          %parallel_loop3A_624 = arith.index_cast %parallel_loop3A_619 : i32 to index
          %parallel_loop3A_625 = arith.index_cast %parallel_loop3A_388 : i32 to index
          %parallel_loop3A_626 = tpu.vector_load %parallel_loop3A_623[%parallel_loop3A_624, %parallel_loop3A_625] {strides = array<i32>} : memref<16x2048xf32, #tpu.memory_space<vmem>>, vector<1x16xf32>,
          %parallel_loop3A_627 = vector.shape_cast %parallel_loop3A_626 : vector<1x16xf32> to vector<16xf32>
          %parallel_loop3A_628 = vector.shape_cast %parallel_loop3A_618 : vector<16xf32> to vector<1x16xf32>
          tpu.vector_store %parallel_loop3A_623[%parallel_loop3A_624, %parallel_loop3A_625], %parallel_loop3A_628 {strides = array<i32>} : memref<16x2048xf32, #tpu.memory_space<vmem>>, vector<1x16xf32>,
          %parallel_loop3A_629 = arith.constant 1.200000e+01 : f32
          %parallel_loop3A_630 = vector.broadcast %parallel_loop3A_629 : f32 to vector<16xf32>
          %parallel_loop3A_631 = arith.subf %parallel_loop3A_403, %parallel_loop3A_630 : vector<16xf32>
          %parallel_loop3A_632 = arith.constant 1.000000e+00 : f32
          %parallel_loop3A_633 = vector.broadcast %parallel_loop3A_632 : f32 to vector<16xf32>
          %parallel_loop3A_634 = arith.minimumf %parallel_loop3A_631, %parallel_loop3A_633 : vector<16xf32>
          %parallel_loop3A_635 = arith.constant 0.000000e+00 : f32
          %parallel_loop3A_636 = vector.broadcast %parallel_loop3A_635 : f32 to vector<16xf32>
          %parallel_loop3A_637 = arith.maximumf %parallel_loop3A_634, %parallel_loop3A_636 : vector<16xf32>
          %parallel_loop3A_638 = arith.constant 12 : i32
          %parallel_loop3A_639 = arith.constant 0 : i32
          %parallel_loop3A_640 = arith.constant 0 : i32
          %parallel_loop3A_641 = tpu.memref_slice %run_scoped3A_8[%rem3A_306, %parallel_loop3A_639, %parallel_loop3A_640] : memref<2x16x2048xf32, #tpu.memory_space<vmem>> -> memref<1x16x2048xf32, #tpu.memory_space<vmem>>
          %parallel_loop3A_642 = tpu.memref_squeeze %parallel_loop3A_641 : memref<1x16x2048xf32, #tpu.memory_space<vmem>> -> memref<16x2048xf32, #tpu.memory_space<vmem>>
          %parallel_loop3A_643 = arith.index_cast %parallel_loop3A_638 : i32 to index
          %parallel_loop3A_644 = arith.index_cast %parallel_loop3A_388 : i32 to index
          %parallel_loop3A_645 = tpu.vector_load %parallel_loop3A_642[%parallel_loop3A_643, %parallel_loop3A_644] {strides = array<i32>} : memref<16x2048xf32, #tpu.memory_space<vmem>>, vector<1x16xf32>,
          %parallel_loop3A_646 = vector.shape_cast %parallel_loop3A_645 : vector<1x16xf32> to vector<16xf32>
          %parallel_loop3A_647 = vector.shape_cast %parallel_loop3A_637 : vector<16xf32> to vector<1x16xf32>
          tpu.vector_store %parallel_loop3A_642[%parallel_loop3A_643, %parallel_loop3A_644], %parallel_loop3A_647 {strides = array<i32>} : memref<16x2048xf32, #tpu.memory_space<vmem>>, vector<1x16xf32>,
          %parallel_loop3A_648 = arith.constant 1.300000e+01 : f32
          %parallel_loop3A_649 = vector.broadcast %parallel_loop3A_648 : f32 to vector<16xf32>
          %parallel_loop3A_650 = arith.subf %parallel_loop3A_403, %parallel_loop3A_649 : vector<16xf32>
          %parallel_loop3A_651 = arith.constant 1.000000e+00 : f32
          %parallel_loop3A_652 = vector.broadcast %parallel_loop3A_651 : f32 to vector<16xf32>
          %parallel_loop3A_653 = arith.minimumf %parallel_loop3A_650, %parallel_loop3A_652 : vector<16xf32>
          %parallel_loop3A_654 = arith.constant 0.000000e+00 : f32
          %parallel_loop3A_655 = vector.broadcast %parallel_loop3A_654 : f32 to vector<16xf32>
          %parallel_loop3A_656 = arith.maximumf %parallel_loop3A_653, %parallel_loop3A_655 : vector<16xf32>
          %parallel_loop3A_657 = arith.constant 13 : i32
          %parallel_loop3A_658 = arith.constant 0 : i32
          %parallel_loop3A_659 = arith.constant 0 : i32
          %parallel_loop3A_660 = tpu.memref_slice %run_scoped3A_8[%rem3A_306, %parallel_loop3A_658, %parallel_loop3A_659] : memref<2x16x2048xf32, #tpu.memory_space<vmem>> -> memref<1x16x2048xf32, #tpu.memory_space<vmem>>
          %parallel_loop3A_661 = tpu.memref_squeeze %parallel_loop3A_660 : memref<1x16x2048xf32, #tpu.memory_space<vmem>> -> memref<16x2048xf32, #tpu.memory_space<vmem>>
          %parallel_loop3A_662 = arith.index_cast %parallel_loop3A_657 : i32 to index
          %parallel_loop3A_663 = arith.index_cast %parallel_loop3A_388 : i32 to index
          %parallel_loop3A_664 = tpu.vector_load %parallel_loop3A_661[%parallel_loop3A_662, %parallel_loop3A_663] {strides = array<i32>} : memref<16x2048xf32, #tpu.memory_space<vmem>>, vector<1x16xf32>,
          %parallel_loop3A_665 = vector.shape_cast %parallel_loop3A_664 : vector<1x16xf32> to vector<16xf32>
          %parallel_loop3A_666 = vector.shape_cast %parallel_loop3A_656 : vector<16xf32> to vector<1x16xf32>
          tpu.vector_store %parallel_loop3A_661[%parallel_loop3A_662, %parallel_loop3A_663], %parallel_loop3A_666 {strides = array<i32>} : memref<16x2048xf32, #tpu.memory_space<vmem>>, vector<1x16xf32>,
          %parallel_loop3A_667 = arith.constant 1.400000e+01 : f32
          %parallel_loop3A_668 = vector.broadcast %parallel_loop3A_667 : f32 to vector<16xf32>
          %parallel_loop3A_669 = arith.subf %parallel_loop3A_403, %parallel_loop3A_668 : vector<16xf32>
          %parallel_loop3A_670 = arith.constant 1.000000e+00 : f32
          %parallel_loop3A_671 = vector.broadcast %parallel_loop3A_670 : f32 to vector<16xf32>
          %parallel_loop3A_672 = arith.minimumf %parallel_loop3A_669, %parallel_loop3A_671 : vector<16xf32>
          %parallel_loop3A_673 = arith.constant 0.000000e+00 : f32
          %parallel_loop3A_674 = vector.broadcast %parallel_loop3A_673 : f32 to vector<16xf32>
          %parallel_loop3A_675 = arith.maximumf %parallel_loop3A_672, %parallel_loop3A_674 : vector<16xf32>
          %parallel_loop3A_676 = arith.constant 14 : i32
          %parallel_loop3A_677 = arith.constant 0 : i32
          %parallel_loop3A_678 = arith.constant 0 : i32
          %parallel_loop3A_679 = tpu.memref_slice %run_scoped3A_8[%rem3A_306, %parallel_loop3A_677, %parallel_loop3A_678] : memref<2x16x2048xf32, #tpu.memory_space<vmem>> -> memref<1x16x2048xf32, #tpu.memory_space<vmem>>
          %parallel_loop3A_680 = tpu.memref_squeeze %parallel_loop3A_679 : memref<1x16x2048xf32, #tpu.memory_space<vmem>> -> memref<16x2048xf32, #tpu.memory_space<vmem>>
          %parallel_loop3A_681 = arith.index_cast %parallel_loop3A_676 : i32 to index
          %parallel_loop3A_682 = arith.index_cast %parallel_loop3A_388 : i32 to index
          %parallel_loop3A_683 = tpu.vector_load %parallel_loop3A_680[%parallel_loop3A_681, %parallel_loop3A_682] {strides = array<i32>} : memref<16x2048xf32, #tpu.memory_space<vmem>>, vector<1x16xf32>,
          %parallel_loop3A_684 = vector.shape_cast %parallel_loop3A_683 : vector<1x16xf32> to vector<16xf32>
          %parallel_loop3A_685 = vector.shape_cast %parallel_loop3A_675 : vector<16xf32> to vector<1x16xf32>
          tpu.vector_store %parallel_loop3A_680[%parallel_loop3A_681, %parallel_loop3A_682], %parallel_loop3A_685 {strides = array<i32>} : memref<16x2048xf32, #tpu.memory_space<vmem>>, vector<1x16xf32>,
          %parallel_loop3A_686 = arith.constant 1.500000e+01 : f32
          %parallel_loop3A_687 = vector.broadcast %parallel_loop3A_686 : f32 to vector<16xf32>
          %parallel_loop3A_688 = arith.subf %parallel_loop3A_403, %parallel_loop3A_687 : vector<16xf32>
          %parallel_loop3A_689 = arith.constant 0.000000e+00 : f32
          %parallel_loop3A_690 = vector.broadcast %parallel_loop3A_689 : f32 to vector<16xf32>
          %parallel_loop3A_691 = arith.maximumf %parallel_loop3A_688, %parallel_loop3A_690 : vector<16xf32>
          %parallel_loop3A_692 = arith.constant 15 : i32
          %parallel_loop3A_693 = arith.constant 0 : i32
          %parallel_loop3A_694 = arith.constant 0 : i32
          %parallel_loop3A_695 = tpu.memref_slice %run_scoped3A_8[%rem3A_306, %parallel_loop3A_693, %parallel_loop3A_694] : memref<2x16x2048xf32, #tpu.memory_space<vmem>> -> memref<1x16x2048xf32, #tpu.memory_space<vmem>>
          %parallel_loop3A_696 = tpu.memref_squeeze %parallel_loop3A_695 : memref<1x16x2048xf32, #tpu.memory_space<vmem>> -> memref<16x2048xf32, #tpu.memory_space<vmem>>
          %parallel_loop3A_697 = arith.index_cast %parallel_loop3A_692 : i32 to index
          %parallel_loop3A_698 = arith.index_cast %parallel_loop3A_388 : i32 to index
          %parallel_loop3A_699 = tpu.vector_load %parallel_loop3A_696[%parallel_loop3A_697, %parallel_loop3A_698] {strides = array<i32>} : memref<16x2048xf32, #tpu.memory_space<vmem>>, vector<1x16xf32>,
          %parallel_loop3A_700 = vector.shape_cast %parallel_loop3A_699 : vector<1x16xf32> to vector<16xf32>
          %parallel_loop3A_701 = vector.shape_cast %parallel_loop3A_691 : vector<16xf32> to vector<1x16xf32>
          tpu.vector_store %parallel_loop3A_696[%parallel_loop3A_697, %parallel_loop3A_698], %parallel_loop3A_701 {strides = array<i32>} : memref<16x2048xf32, #tpu.memory_space<vmem>>, vector<1x16xf32>,
        } {sc.loop_unroll_factor = 2 : i64, sc.parallel_access}
        "tpu.trace_stop"() : () -> ()
        %ne3A_309 = arith.cmpi ne, %add3A_204, %add3A_242 : i32
        %ne3A_310 = arith.cmpi ne, %add3A_206, %add3A_244 : i32
        %or3A_311 = arith.constant false
        %or3A_312 = arith.ori %or3A_311, %ne3A_309 : i1
        %or3A_313 = arith.ori %or3A_312, %ne3A_310 : i1
        %or3A_314 = arith.ori %or3A_313, %eq3A_202 : i1
        %convert_element_type3A_315 = arith.extui %or3A_314 : i1 to i32
        %cond3A_316 = arith.constant 0 : i32
        %cond3A_317 = arith.cmpi ne, %convert_element_type3A_315, %cond3A_316 : i32
        scf.if %cond3A_317 {
        } else {
        }
        %and3A_318 = arith.constant false
        %and3A_319 = arith.andi %or3A_314, %and3A_318 : i1
        %ne3A_320 = arith.cmpi ne, %add3A_204, %add3A_242 : i32
        %ne3A_321 = arith.cmpi ne, %add3A_206, %add3A_244 : i32
        %or3A_322 = arith.constant false
        %or3A_323 = arith.ori %or3A_322, %ne3A_320 : i1
        %or3A_324 = arith.ori %or3A_323, %ne3A_321 : i1
        %or3A_325 = arith.ori %or3A_324, %eq3A_202 : i1
        %convert_element_type3A_326 = arith.extui %or3A_325 : i1 to i32
        %cond3A_327 = arith.constant 0 : i32
        %cond3A_328 = arith.cmpi ne, %convert_element_type3A_326, %cond3A_327 : i32
        scf.if %cond3A_328 {
          "tpu.trace_start"() <{level = 10 : i32, message = "ep_copy_out"}> : () -> ()
          %rem3A_388 = arith.constant 2 : i32
          %rem3A_389 = arith.remui %scan3A_195, %rem3A_388 : i32
          %mul3A_390 = arith.constant 16 : i32
          %mul3A_391 = arith.muli %mul3A_390, %add3A_204 : i32
          %mul3A_392 = arith.constant 2048 : i32
          %mul3A_393 = arith.muli %mul3A_392, %add3A_206 : i32
          %dma_start3A_394 = arith.constant 0 : i32
          %dma_start3A_395 = arith.constant 0 : i32
          %dma_start3A_396 = tpu.memref_slice %run_scoped3A_8[%rem3A_389, %dma_start3A_394, %dma_start3A_395] : memref<2x16x2048xf32, #tpu.memory_space<vmem>> -> memref<1x16x2048xf32, #tpu.memory_space<vmem>>
          %dma_start3A_397 = tpu.memref_squeeze %dma_start3A_396 : memref<1x16x2048xf32, #tpu.memory_space<vmem>> -> memref<16x2048xf32, #tpu.memory_space<vmem>>
          %dma_start3A_398 = tpu.memref_slice %arg3[%mul3A_391, %mul3A_393] : memref<512x131072xf32, #tpu.memory_space<hbm>> -> memref<16x2048xf32, #tpu.memory_space<hbm>>
          %dma_start3A_399 = tpu.memref_slice %run_scoped3A_9[%rem3A_389] : memref<2x!tpu.dma_semaphore, #tpu.memory_space<semaphore_mem>> -> memref<1x!tpu.dma_semaphore, #tpu.memory_space<semaphore_mem>>
          %dma_start3A_400 = tpu.memref_squeeze %dma_start3A_399 : memref<1x!tpu.dma_semaphore, #tpu.memory_space<semaphore_mem>> -> memref<!tpu.dma_semaphore, #tpu.memory_space<semaphore_mem>>
          %dma_start3A_401 = tpu.memref_slice %arg3[%mul3A_391, %mul3A_393] : memref<512x131072xf32, #tpu.memory_space<hbm>> -> memref<16x2048xf32, #tpu.memory_space<hbm>>
          %dma_start3A_402 = arith.constant 0 : i32
          %dma_start3A_403 = arith.constant 0 : i32
          %dma_start3A_404 = tpu.memref_slice %run_scoped3A_8[%rem3A_389, %dma_start3A_402, %dma_start3A_403] : memref<2x16x2048xf32, #tpu.memory_space<vmem>> -> memref<1x16x2048xf32, #tpu.memory_space<vmem>>
          %dma_start3A_405 = tpu.memref_squeeze %dma_start3A_404 : memref<1x16x2048xf32, #tpu.memory_space<vmem>> -> memref<16x2048xf32, #tpu.memory_space<vmem>>
          tpu.enqueue_dma source(%dma_start3A_405 : memref<16x2048xf32, #tpu.memory_space<vmem>>) target(%dma_start3A_401 : memref<16x2048xf32, #tpu.memory_space<hbm>>) target_semaphore(%dma_start3A_400 : memref<!tpu.dma_semaphore, #tpu.memory_space<semaphore_mem>>)
          "tpu.trace_stop"() : () -> ()
        } else {
        }
        %and3A_329 = arith.constant true
        %and3A_330 = arith.andi %or3A_325, %and3A_329 : i1
        %add3A_331 = arith.constant 1 : i32
        %add3A_332 = arith.addi %scan3A_195, %add3A_331 : i32
        %select_n3A_333 = arith.select %and3A_330, %add3A_332, %scan3A_195 : i32
        %ne3A_334 = arith.cmpi ne, %add3A_204, %add3A_223 : i32
        %ne3A_335 = arith.cmpi ne, %add3A_206, %add3A_225 : i32
        %or3A_336 = arith.constant false
        %or3A_337 = arith.ori %or3A_336, %ne3A_334 : i1
        %or3A_338 = arith.ori %or3A_337, %ne3A_335 : i1
        %not3A_339 = arith.constant true
        %not3A_340 = arith.xori %eq3A_200, %not3A_339 : i1
        %and3A_341 = arith.andi %or3A_338, %not3A_340 : i1
        %convert_element_type3A_342 = arith.extui %and3A_341 : i1 to i32
        %cond3A_343 = arith.constant 0 : i32
        %cond3A_344 = arith.cmpi ne, %convert_element_type3A_342, %cond3A_343 : i32
        scf.if %cond3A_344 {
        } else {
        }
        %and3A_345 = arith.constant false
        %and3A_346 = arith.andi %and3A_341, %and3A_345 : i1
        %ne3A_347 = arith.cmpi ne, %add3A_204, %add3A_223 : i32
        %ne3A_348 = arith.cmpi ne, %add3A_206, %add3A_225 : i32
        %or3A_349 = arith.constant false
        %or3A_350 = arith.ori %or3A_349, %ne3A_347 : i1
        %or3A_351 = arith.ori %or3A_350, %ne3A_348 : i1
        %not3A_352 = arith.constant true
        %not3A_353 = arith.xori %eq3A_200, %not3A_352 : i1
        %and3A_354 = arith.andi %or3A_351, %not3A_353 : i1
        %convert_element_type3A_355 = arith.extui %and3A_354 : i1 to i32
        %cond3A_356 = arith.constant 0 : i32
        %cond3A_357 = arith.cmpi ne, %convert_element_type3A_355, %cond3A_356 : i32
        scf.if %cond3A_357 {
          "tpu.trace_start"() <{level = 10 : i32, message = "ep_wait_out"}> : () -> ()
          %rem3A_388 = arith.constant 2 : i32
          %rem3A_389 = arith.remui %scan3A_196, %rem3A_388 : i32
          %mul3A_390 = arith.constant 16 : i32
          %mul3A_391 = arith.muli %mul3A_390, %add3A_223 : i32
          %mul3A_392 = arith.constant 2048 : i32
          %mul3A_393 = arith.muli %mul3A_392, %add3A_225 : i32
          %dma_wait3A_394 = arith.constant 0 : i32
          %dma_wait3A_395 = arith.constant 0 : i32
          %dma_wait3A_396 = tpu.memref_slice %run_scoped3A_8[%rem3A_389, %dma_wait3A_394, %dma_wait3A_395] : memref<2x16x2048xf32, #tpu.memory_space<vmem>> -> memref<1x16x2048xf32, #tpu.memory_space<vmem>>
          %dma_wait3A_397 = tpu.memref_squeeze %dma_wait3A_396 : memref<1x16x2048xf32, #tpu.memory_space<vmem>> -> memref<16x2048xf32, #tpu.memory_space<vmem>>
          %dma_wait3A_398 = tpu.memref_slice %arg3[%mul3A_391, %mul3A_393] : memref<512x131072xf32, #tpu.memory_space<hbm>> -> memref<16x2048xf32, #tpu.memory_space<hbm>>
          %dma_wait3A_399 = tpu.memref_slice %run_scoped3A_9[%rem3A_389] : memref<2x!tpu.dma_semaphore, #tpu.memory_space<semaphore_mem>> -> memref<1x!tpu.dma_semaphore, #tpu.memory_space<semaphore_mem>>
          %dma_wait3A_400 = tpu.memref_squeeze %dma_wait3A_399 : memref<1x!tpu.dma_semaphore, #tpu.memory_space<semaphore_mem>> -> memref<!tpu.dma_semaphore, #tpu.memory_space<semaphore_mem>>
          %dma_wait3A_401 = tpu.memref_slice %arg3[%mul3A_391, %mul3A_393] : memref<512x131072xf32, #tpu.memory_space<hbm>> -> memref<16x2048xf32, #tpu.memory_space<hbm>>
          %dma_wait3A_402 = arith.constant 0 : i32
          %dma_wait3A_403 = arith.constant 0 : i32
          %dma_wait3A_404 = tpu.memref_slice %run_scoped3A_8[%rem3A_389, %dma_wait3A_402, %dma_wait3A_403] : memref<2x16x2048xf32, #tpu.memory_space<vmem>> -> memref<1x16x2048xf32, #tpu.memory_space<vmem>>
          %dma_wait3A_405 = tpu.memref_squeeze %dma_wait3A_404 : memref<1x16x2048xf32, #tpu.memory_space<vmem>> -> memref<16x2048xf32, #tpu.memory_space<vmem>>
          tpu.wait_dma2 semaphore(%dma_wait3A_400 : memref<!tpu.dma_semaphore, #tpu.memory_space<semaphore_mem>>) src(%dma_wait3A_405 : memref<16x2048xf32, #tpu.memory_space<vmem>>) dst(%dma_wait3A_401 : memref<16x2048xf32, #tpu.memory_space<hbm>>)
          "tpu.trace_stop"() : () -> ()
        } else {
        }
        %and3A_358 = arith.constant true
        %and3A_359 = arith.andi %and3A_354, %and3A_358 : i1
        %add3A_360 = arith.constant 1 : i32
        %add3A_361 = arith.addi %scan3A_196, %add3A_360 : i32
        %select_n3A_362 = arith.select %and3A_359, %add3A_361, %scan3A_196 : i32
        %ne3A_363 = arith.cmpi ne, %add3A_204, %add3A_242 : i32
        %ne3A_364 = arith.cmpi ne, %add3A_206, %add3A_244 : i32
        %or3A_365 = arith.constant false
        %or3A_366 = arith.ori %or3A_365, %ne3A_363 : i1
        %or3A_367 = arith.ori %or3A_366, %ne3A_364 : i1
        %or3A_368 = arith.ori %or3A_367, %eq3A_202 : i1
        %add3A_369 = arith.constant 1 : i32
        %add3A_370 = arith.addi %scan3A_194, %add3A_369 : i32
        %select_n3A_371 = arith.select %or3A_368, %add3A_370, %scan3A_194 : i32
        %add3A_372 = arith.constant 1 : i32
        %add3A_373 = arith.addi %scan3A_198, %add3A_372 : i32
        %select_n3A_374 = arith.constant true
        %select_n3A_375 = arith.select %select_n3A_374, %add3A_373, %scan3A_198 : i32
        %eq3A_376 = arith.constant 64 : i32
        %eq3A_377 = arith.cmpi eq, %select_n3A_375, %eq3A_376 : i32
        %select_n3A_378 = arith.constant 0 : i32
        %select_n3A_379 = arith.select %eq3A_377, %select_n3A_378, %select_n3A_375 : i32
        %select_n3A_380 = arith.constant 0 : i32
        %select_n3A_381 = arith.constant 1 : i32
        %select_n3A_382 = arith.select %eq3A_377, %select_n3A_381, %select_n3A_380 : i32
        %eq3A_383 = arith.constant 1 : i32
        %eq3A_384 = arith.cmpi eq, %select_n3A_382, %eq3A_383 : i32
        %select_n3A_385 = arith.constant 0 : i32
        %select_n3A_386 = arith.select %eq3A_384, %select_n3A_385, %select_n3A_382 : i32
        %scan3A_387 = arith.constant 0 : i32
        scf.yield %select_n3A_274, %select_n3A_371, %select_n3A_333, %select_n3A_362, %scan3A_387, %select_n3A_379 : i32, i32, i32, i32, i32, i32
      }
      %scan3A_99 = arith.constant 64 : i32
      %sub3A = arith.constant 1 : i32
      %sub3A_100 = arith.subi %scan3A_98#5, %sub3A : i32
      %select_n3A_101 = arith.constant true
      %select_n3A_102 = arith.select %select_n3A_101, %sub3A_100, %scan3A_98#5 : i32
      %eq3A_103 = arith.constant -1 : i32
      %eq3A_104 = arith.cmpi eq, %select_n3A_102, %eq3A_103 : i32
      %select_n3A_105 = arith.constant 63 : i32
      %select_n3A_106 = arith.select %eq3A_104, %select_n3A_105, %select_n3A_102 : i32
      %sub3A_107 = arith.constant 1 : i32
      %sub3A_108 = arith.subi %scan3A_98#4, %sub3A_107 : i32
      %select_n3A_109 = arith.select %eq3A_104, %sub3A_108, %scan3A_98#4 : i32
      %eq3A_110 = arith.constant -1 : i32
      %eq3A_111 = arith.cmpi eq, %select_n3A_109, %eq3A_110 : i32
      %select_n3A_112 = arith.constant 0 : i32
      %select_n3A_113 = arith.select %eq3A_111, %select_n3A_112, %select_n3A_109 : i32
      %add3A_114 = arith.constant 0 : i32
      %add3A_115 = arith.addi %add3A_114, %mul3A_6 : i32
      %add3A_116 = arith.constant 0 : i32
      %add3A_117 = arith.addi %select_n3A_106, %add3A_116 : i32
      %sub3A_118 = arith.constant 1 : i32
      %sub3A_119 = arith.subi %select_n3A_106, %sub3A_118 : i32
      %select_n3A_120 = arith.constant true
      %select_n3A_121 = arith.select %select_n3A_120, %sub3A_119, %select_n3A_106 : i32
      %eq3A_122 = arith.constant -1 : i32
      %eq3A_123 = arith.cmpi eq, %select_n3A_121, %eq3A_122 : i32
      %select_n3A_124 = arith.constant 63 : i32
      %select_n3A_125 = arith.select %eq3A_123, %select_n3A_124, %select_n3A_121 : i32
      %select_n3A_126 = arith.constant 0 : i32
      %select_n3A_127 = arith.constant -1 : i32
      %select_n3A_128 = arith.select %eq3A_123, %select_n3A_127, %select_n3A_126 : i32
      %eq3A_129 = arith.constant -1 : i32
      %eq3A_130 = arith.cmpi eq, %select_n3A_128, %eq3A_129 : i32
      %select_n3A_131 = arith.constant 0 : i32
      %select_n3A_132 = arith.select %eq3A_130, %select_n3A_131, %select_n3A_128 : i32
      %add3A_133 = arith.constant 0 : i32
      %add3A_134 = arith.addi %add3A_133, %mul3A_6 : i32
      %add3A_135 = arith.constant 0 : i32
      %add3A_136 = arith.addi %select_n3A_125, %add3A_135 : i32
      %add3A_137 = arith.constant 1 : i32
      %add3A_138 = arith.addi %select_n3A_106, %add3A_137 : i32
      %select_n3A_139 = arith.constant true
      %select_n3A_140 = arith.select %select_n3A_139, %add3A_138, %select_n3A_106 : i32
      %eq3A_141 = arith.constant 64 : i32
      %eq3A_142 = arith.cmpi eq, %select_n3A_140, %eq3A_141 : i32
      %select_n3A_143 = arith.constant 0 : i32
      %select_n3A_144 = arith.select %eq3A_142, %select_n3A_143, %select_n3A_140 : i32
      %select_n3A_145 = arith.constant 0 : i32
      %select_n3A_146 = arith.constant 1 : i32
      %select_n3A_147 = arith.select %eq3A_142, %select_n3A_146, %select_n3A_145 : i32
      %eq3A_148 = arith.constant 1 : i32
      %eq3A_149 = arith.cmpi eq, %select_n3A_147, %eq3A_148 : i32
      %select_n3A_150 = arith.constant 0 : i32
      %select_n3A_151 = arith.select %eq3A_149, %select_n3A_150, %select_n3A_147 : i32
      %add3A_152 = arith.constant 0 : i32
      %add3A_153 = arith.addi %add3A_152, %mul3A_6 : i32
      %add3A_154 = arith.constant 0 : i32
      %add3A_155 = arith.addi %select_n3A_144, %add3A_154 : i32
      %add3A_156 = arith.constant 1 : i32
      %add3A_157 = arith.addi %select_n3A_144, %add3A_156 : i32
      %select_n3A_158 = arith.constant true
      %select_n3A_159 = arith.select %select_n3A_158, %add3A_157, %select_n3A_144 : i32
      %eq3A_160 = arith.constant 64 : i32
      %eq3A_161 = arith.cmpi eq, %select_n3A_159, %eq3A_160 : i32
      %select_n3A_162 = arith.constant 0 : i32
      %select_n3A_163 = arith.select %eq3A_161, %select_n3A_162, %select_n3A_159 : i32
      %select_n3A_164 = arith.constant 0 : i32
      %select_n3A_165 = arith.constant 1 : i32
      %select_n3A_166 = arith.select %eq3A_161, %select_n3A_165, %select_n3A_164 : i32
      %eq3A_167 = arith.constant 1 : i32
      %eq3A_168 = arith.cmpi eq, %select_n3A_166, %eq3A_167 : i32
      %select_n3A_169 = arith.constant 0 : i32
      %select_n3A_170 = arith.select %eq3A_168, %select_n3A_169, %select_n3A_166 : i32
      %add3A_171 = arith.constant 0 : i32
      %add3A_172 = arith.addi %add3A_171, %mul3A_6 : i32
      %add3A_173 = arith.constant 0 : i32
      %add3A_174 = arith.addi %select_n3A_163, %add3A_173 : i32
      "tpu.trace_start"() <{level = 10 : i32, message = "ep_finalize"}> : () -> ()
      %rem3A_175 = arith.constant 2 : i32
      %rem3A_176 = arith.remui %scan3A_98#3, %rem3A_175 : i32
      %mul3A_177 = arith.constant 16 : i32
      %mul3A_178 = arith.muli %mul3A_177, %add3A_115 : i32
      %mul3A_179 = arith.constant 2048 : i32
      %mul3A_180 = arith.muli %mul3A_179, %add3A_117 : i32
      %dma_wait3A = arith.constant 0 : i32
      %dma_wait3A_181 = arith.constant 0 : i32
      %dma_wait3A_182 = tpu.memref_slice %run_scoped3A_8[%rem3A_176, %dma_wait3A, %dma_wait3A_181] : memref<2x16x2048xf32, #tpu.memory_space<vmem>> -> memref<1x16x2048xf32, #tpu.memory_space<vmem>>
      %dma_wait3A_183 = tpu.memref_squeeze %dma_wait3A_182 : memref<1x16x2048xf32, #tpu.memory_space<vmem>> -> memref<16x2048xf32, #tpu.memory_space<vmem>>
      %dma_wait3A_184 = tpu.memref_slice %arg3[%mul3A_178, %mul3A_180] : memref<512x131072xf32, #tpu.memory_space<hbm>> -> memref<16x2048xf32, #tpu.memory_space<hbm>>
      %dma_wait3A_185 = tpu.memref_slice %run_scoped3A_9[%rem3A_176] : memref<2x!tpu.dma_semaphore, #tpu.memory_space<semaphore_mem>> -> memref<1x!tpu.dma_semaphore, #tpu.memory_space<semaphore_mem>>
      %dma_wait3A_186 = tpu.memref_squeeze %dma_wait3A_185 : memref<1x!tpu.dma_semaphore, #tpu.memory_space<semaphore_mem>> -> memref<!tpu.dma_semaphore, #tpu.memory_space<semaphore_mem>>
      %dma_wait3A_187 = tpu.memref_slice %arg3[%mul3A_178, %mul3A_180] : memref<512x131072xf32, #tpu.memory_space<hbm>> -> memref<16x2048xf32, #tpu.memory_space<hbm>>
      %dma_wait3A_188 = arith.constant 0 : i32
      %dma_wait3A_189 = arith.constant 0 : i32
      %dma_wait3A_190 = tpu.memref_slice %run_scoped3A_8[%rem3A_176, %dma_wait3A_188, %dma_wait3A_189] : memref<2x16x2048xf32, #tpu.memory_space<vmem>> -> memref<1x16x2048xf32, #tpu.memory_space<vmem>>
      %dma_wait3A_191 = tpu.memref_squeeze %dma_wait3A_190 : memref<1x16x2048xf32, #tpu.memory_space<vmem>> -> memref<16x2048xf32, #tpu.memory_space<vmem>>
      tpu.wait_dma2 semaphore(%dma_wait3A_186 : memref<!tpu.dma_semaphore, #tpu.memory_space<semaphore_mem>>) src(%dma_wait3A_191 : memref<16x2048xf32, #tpu.memory_space<vmem>>) dst(%dma_wait3A_187 : memref<16x2048xf32, #tpu.memory_space<hbm>>)
      "tpu.trace_stop"() : () -> ()
      tpu.yield
    }) : () -> ()
    return
  }
}

</mosaic_0001>

<sc_bundles>
// kernel: kernel.3.cloned.1.call-start
scs
__scs_entry_jumppad:
0x0: {  	(pc) =	sbr.rel $0x88, $3  }
0x1: {  	(tag) =	ssettag $0x0;
	lr =	simm.s32 $0x1  }
0x2: {  	[smem:$0x3FA0] =	sst lr;
	_ =	strace $0xD0000000  }
0x3: {  	_ = 	snop  }
0x4: {  	_ = 	snop  }
0x5: {  	_ = 	snop  }
0x6: {  	_ = 	snop  }
0x7: {  	_ = 	snop  }
__scs_overlays_trampoline_lowered:
0x8: {  	[smem:$0x3FAF] =	sst s0  }
0x9: {  	[smem:$0x3FB0] =	sst s1  }
0xa: {  	[smem:$0x3FB1] =	sst s2  }
0xb: {  	[smem:$0x3FB2] =	sst s3  }
0xc: {  	[smem:$0x3FB3] =	sst s4  }
0xd: {  	[smem:$0x3FB4] =	sst s5  }
0xe: {  	[smem:$0x3FB5] =	sst s6  }
0xf: {  	[smem:$0x3FB6] =	sst s7  }
0x10: {  	[smem:$0x3FB7] =	sst s8  }
0x11: {  	[smem:$0x3FB8] =	sst s9;
	s0 =	simm.s32 @!p0 $0x0  }
0x12: {  	s1 =	sld [smem:$0x3F9E];
	s0 =	simm.s32 @p0 $0x1  }
0x13: {  	[smem:$0x3FB9] =	sst s0;
	s0 =	simm.s32 @!p1 $0x0  }
0x14: {  	s2 =	sld [smem:$0x3F9D];
	s0 =	simm.s32 @p1 $0x1  }
0x15: {  	[smem:$0x3FBA] =	sst s0;
	s0 =	simm.s32 @!p2 $0x0  }
0x16: {  	s3 =	sld [smem:$0x3FDB];
	s0 =	simm.s32 @p2 $0x1  }
0x17: {  	s4 =	simm.s32 $0x1BF5;
	[smem:$0x3FBC] =	sst s0  }
0x18: {  	s0 =	sld [smem:$0x3F9F];
	_ =	swait.ge [sflag:s4], $0x0  }
0x19: {  	s7 =	sld [smem:$0x3FA0]  }
0x1a: {  	s8 =	sadd.s32 $0xFFFFE003, lr  }
0x1b: {  	s9 =	sadd.s32 $0xFFFFFEF7, lr;
	s5 =	simm.s32 $0xFFFFFFFF;
	p2 =	slt.u32 s8, $0xFFFFF086  }
0x1c: {  	p1 =	slt.u32 s9, $0xF7A;
	s5 =	simm.s32 @!p2 $0x0  }
0x1d: {  	s5 =	simm.s32 @p1 $0x1;
	p0 =	seq.s32 s7, s2  }
0x1e: {  	s7 =	smul.u32 @!p0 $0xF7A, s2;
	p2 =	seq.s32 @!p0 s5, $0x0  }
0x1f: {  	s9 =	smul.u32 $0xF7A, s1;
	s8 =	simm.s32 @!p0 $0x1BF5;
	p2 =	por !p2, p0  }
0x20: {  	[sflag:s8] =	ssyncset.s32 @!p0 $0xFFFFF086;
	s6 =	sadd.s32 @!p0 s3, s7;
	s7 =	simm.s32 @!p0 $0x108  }
0x21: {  	s3 =	sadd.s32 s3, s9;
	s6 =	sadd.s32 @!p0 $0x88, s6;
	s7 =	simm.s32 @p2 $0x1082  }
0x22: {  	[simem:s7], [sflag:s8] =	dma.local @!p0 [hbm:s6], $0xF7A  }
0x23: {  	s9 =	sor.u32 $0xD0000000, s2;
	s6 =	simm.s32 $0x108;
	_ =	swait.ge @!p0 [sflag:s8], $0x0  }
0x24: {  	s3 =	sadd.s32 $0x88, s3;
	s6 =	simm.s32 @!p1 $0x1082;
	[sflag:s4] =	ssyncset.s32 $0xFFFFF086  }
0x25: {  	[simem:s6], [sflag:s4] =	dma.local [hbm:s3], $0xF7A  }
0x26: {  	[smem:$0x3FA0] =	sst s1;
	(tag) =	ssettag s2;
	_ =	strace s9  }
0x27: {  	s1 =	sld [smem:$0x3FB0]  }
0x28: {  	s2 =	sld [smem:$0x3FB1]  }
0x29: {  	s4 =	sld [smem:$0x3FB3]  }
0x2a: {  	p0 =	seq.s32 s5, $0x0;
	s5 =	sld [smem:$0x3FB4]  }
0x2b: {  	s6 =	sld [smem:$0x3FB5]  }
0x2c: {  	s7 =	sld [smem:$0x3FB6]  }
0x2d: {  	s3 =	simm.s32 $0x108;
	s8 =	sld [smem:$0x3FB7]  }
0x2e: {  	s3 =	simm.s32 @!p0 $0x1082;
	s9 =	sld [smem:$0x3FB8]  }
0x2f: {  	lr =	sadd.s32 s0, s3;
	s0 =	sld [smem:$0x3FAF]  }
0x30: {  	s3 =	sld [smem:$0x3FB2]  }
0x31: {  	[smem:$0x3FBB] =	sst s10  }
0x32: {  	s10 =	sld [smem:$0x3FB9];
	_ =	sdelay $0x3  }
0x33: {  	p0 =	seq.s32 s10, $0x1;
	s10 =	sld [smem:$0x3FBB];
	_ =	sdelay $0x3  }
0x34: {  	[smem:$0x3FBB] =	sst s10  }
0x35: {  	s10 =	sld [smem:$0x3FBA];
	_ =	sdelay $0x3  }
0x36: {  	p1 =	seq.s32 s10, $0x1;
	s10 =	sld [smem:$0x3FBB];
	_ =	sdelay $0x3  }
0x37: {  	[smem:$0x3FBB] =	sst s10  }
0x38: {  	s10 =	sld [smem:$0x3FBC]  }
0x39: {  	_ = 	snop;
	(pc) =	sbr.ind lr, $3  }
0x3a: {  	_ = 	snop  }
0x3b: {  	_ = 	snop  }
0x3c: {  	p2 =	seq.s32 s10, $0x1;
	s10 =	sld [smem:$0x3FBB]  }
0x3d: {  	_ =	shalt  }
0x3e: {  	_ =	shalt  }
0x3f: {  	_ =	shalt  }
0x40: {  	_ =	shalt  }
0x41: {  	_ =	shalt  }
0x42: {  	_ =	shalt  }
0x43: {  	_ =	shalt  }
0x44: {  	_ =	shalt  }
0x45: {  	_ =	shalt  }
0x46: {  	_ =	shalt  }
0x47: {  	_ =	shalt  }
0x48: {  	_ =	shalt  }
0x49: {  	_ =	shalt  }
0x4a: {  	_ =	shalt  }
0x4b: {  	_ =	shalt  }
0x4c: {  	_ =	shalt  }
0x4d: {  	_ =	shalt  }
0x4e: {  	_ =	shalt  }
0x4f: {  	_ =	shalt  }
0x50: {  	_ =	shalt  }
0x51: {  	_ =	shalt  }
0x52: {  	_ =	shalt  }
0x53: {  	_ =	shalt  }
0x54: {  	_ =	shalt  }
0x55: {  	_ =	shalt  }
0x56: {  	_ =	shalt  }
0x57: {  	_ =	shalt  }
0x58: {  	_ =	shalt  }
0x59: {  	_ =	shalt  }
0x5a: {  	_ =	shalt  }
0x5b: {  	_ =	shalt  }
0x5c: {  	_ =	shalt  }
0x5d: {  	_ =	shalt  }
0x5e: {  	_ =	shalt  }
0x5f: {  	_ =	shalt  }
0x60: {  	_ =	shalt  }
0x61: {  	_ =	shalt  }
0x62: {  	_ =	shalt  }
0x63: {  	_ =	shalt  }
0x64: {  	_ =	shalt  }
0x65: {  	_ =	shalt  }
0x66: {  	_ =	shalt  }
0x67: {  	_ =	shalt  }
0x68: {  	_ =	shalt  }
0x69: {  	_ =	shalt  }
0x6a: {  	_ =	shalt  }
0x6b: {  	_ =	shalt  }
0x6c: {  	_ =	shalt  }
0x6d: {  	_ =	shalt  }
0x6e: {  	_ =	shalt  }
0x6f: {  	_ =	shalt  }
0x70: {  	_ =	shalt  }
0x71: {  	_ =	shalt  }
0x72: {  	_ =	shalt  }
0x73: {  	_ =	shalt  }
0x74: {  	_ =	shalt  }
0x75: {  	_ =	shalt  }
0x76: {  	_ =	shalt  }
0x77: {  	_ =	shalt  }
0x78: {  	_ =	shalt  }
0x79: {  	_ =	shalt  }
0x7a: {  	_ =	shalt  }
0x7b: {  	_ =	shalt  }
0x7c: {  	_ =	shalt  }
0x7d: {  	_ =	shalt  }
0x7e: {  	_ =	shalt  }
0x7f: {  	_ =	shalt  }
0x80: {  	_ =	shalt  }
0x81: {  	_ =	shalt  }
0x82: {  	_ =	shalt  }
0x83: {  	_ =	shalt  }
0x84: {  	_ =	shalt  }
0x85: {  	_ =	shalt  }
0x86: {  	_ =	shalt  }
0x87: {  	_ =	shalt  }
.Lfunc_end0:
.L_simem_size_0:
called_computation_lowered:
.L_overlay_start_0:
0x88: {  	s2 =	sld [smem:$0x3FD9]  }
0x89: {  	s3 =	sld [smem:$0x3FFE];
	_ =	sdelay $0x1  }
0x8a: {  	s1 =	srdreg.scid  }
0x8b: {  	s0 =	sand.u32 $0x1, s1  }
0x8c: {  	s18 =	sshll.u32 s0, $0xA;
	s2 =	sadd.s32 s3, s2  }
0x8d: {  	s2 =	sadd.s32 s2, s18  }
0x8e: {  	[smem:$0x3FC7] =	sst s2  }
0x8f: {  	_ = 	snop  }
0x90: {  	s2 =	sld [smem:$0x3FC9]  }
0x91: {  	s19 =	sld [smem:$0x3FD0];
	(tm) =	ssettm $0x1  }
0x92: {  	s4 =	sld [smem:$0x3FFB];
	_ =	sdelay $0x3  }
0x93: {  	_ =	strace s4  }
0x94: {  	s4 =	sld [smem:$0x3FFC];
	_ =	sdelay $0x3  }
0x95: {  	_ =	strace s4  }
0x96: {  	s4 =	sld [smem:$0x3FFD];
	_ =	sdelay $0x3  }
0x97: {  	_ =	strace s4  }
0x98: {  	_ =	strace $0x8FFFFFFF  }
0x99: {  	s20 =	sld [smem:$0x3FDB];
	_ =	sdelay $0x1  }
0x9a: {  	s5 =	simm.s32 $_scs_section_size  }
0x9b: {  	s6 =	simm.s32 $_size__tile_overlayer_lowered;
	s7 =	simm.s32 $_tile_overlayer_lowered  }
0x9c: {  	s23 =	simm.s32 $0x1BFF;
	s22 =	sshll.u32 s7, $0x1;
	s4 =	sadd.s32 s5, s20  }
0x9d: {  	s8 =	simm.s32 $0x0;
	s21 =	sshll.u32 s6, $0x1;
	s6 =	sadd.s32 s22, s4  }
0x9e: {  	[timem:s8], [sflag:s23] =	dma.local [hbm:s6], s21  }
0x9f: {  	_ =	swait.ge [sflag:s23], s21  }
0xa0: {  	s5 =	ssub.s32 $0x0, s21;
	[sflag:s23] =	ssyncset.done $0x0  }
0xa1: {  	[sflag:s23] =	ssyncadd.s32 s5;
	_ =	sdelay $0x1  }
0xa2: {  	s24 =	simm.s32 $0x1B8B  }
0xa3: {  	_ =	swait.ge [sflag:s24], $0x1  }
0xa4: {  	[sflag:s24] =	ssyncset.done $0x0  }
0xa5: {  	s25 =	simm.s32 $0x1B8E;
	[sflag:s24] =	ssyncadd.s32 $0xFFFFFFFF  }
0xa6: {  	s26 =	simm.s32 $execute0_lowered;
	[smem:$0x3FD2] =	sst s25  }
0xa7: {  	s5 =	sshll.u32 s26, $0x1;
	_ =	strace $0x80000046;
	[dreg:$0x1] =	wrdreg $0xFFFFFFFF  }
0xa8: {  	s28 =	simm.s32 $_size_execute0_lowered;
	s4 =	sadd.s32 s4, s5;
	[dreg:$0x0] =	wrdreg $0x0  }
0xa9: {  	s5 =	sshll.u32 s28, $0x1;
	[dreg:$0x2] =	wrdreg s4  }
0xaa: {  	[dreg:$0x3] =	wrdreg s5  }
0xab: {  	[dreg:$0x4] =	wrdreg $0xC0  }
0xac: {  	_ =	task [dreg:s8], $0x5FFFF  }
0xad: {  	[dreg:$0x1] =	wrdreg $0xFFFFFFFF  }
0xae: {  	[dreg:$0x0] =	wrdreg $0x60  }
0xaf: {  	[dreg:$0x2] =	wrdreg s2  }
0xb0: {  	[dreg:$0x3] =	wrdreg s19  }
0xb1: {  	[dreg:$0x4] =	wrdreg $0x9  }
0xb2: {  	_ =	task.clear_ibuf [dreg:s8], $0x5FFFF;
	_ =	strace $0x90000046  }
0xb3: {  	s29 =	simm.s32 $0x9;
	_ =	strace $0x8000004F  }
0xb4: {  	_ =	swait.ge [sflag:s29], $0x1  }
0xb5: {  	[sflag:s29] =	ssyncadd.s32 $0xFFFFFFFF  }
0xb6: {  	_ =	strace $0x9000004F  }
0xb7: {  	_ =	sfence  }
0xb8: {  	s30 =	sld [smem:$0x0];
	_ =	sdelay $0x2  }
0xb9: {  	s31 =	sshll.u32 s1, $0xD;
	s1 =	sshrl.u32 s1, $0x2  }
0xba: {  	s3 =	sand.u32 $0x4000, s31;
	s1 =	sadd.s32 s1, s30  }
0xbb: {  	s0 =	sor.u32 s3, s0;
	s1 =	sshll.u32 s1, $0x11  }
0xbc: {  	s0 =	sor.u32 s1, s0  }
0xbd: {  	s0 =	sadd.s32 $0x8F2B, s0  }
0xbe: {  	[sflag:s0] =	ssyncadd.remote.s32 $0x1  }
0xbf: {  	_ =	sfence.sel $0xFFFF  }
0xc0: {  	[dreg:$0x0] =	wrdreg $0xFFFFFFFF;
	(pc) =	sbr.abs _section_cstart, $3  }
0xc1: {  	[dreg:$0x1] =	wrdreg $0xFFFFFFFF  }
0xc2: {  	_ =	task.clear_ibuf [dreg:s8], $0x2FFFF;
	_ =	strace $0x9FFFFFFF  }
0xc3: {  	(tm) =	ssettm $0x7FFFFFFF  }
tec
execute0_lowered:
.L_overlay_start_1:
0x0: {  	(tag) =	ssettag $0x1  }
0x1: {  	s0 =	srdreg.scid  }
0x2: {  	s0 =	sand.u32 $0x1, s0  }
0x3: {  	s3 =	stileid.u32;
	s1 =	sshll.u32 s0, $0x4  }
0x4: {  	s4 =	rddreg [dreg:$0x0];
	s1 =	sor.u32 s3, s1  }
0x5: {  	s0 =	ssub.s32 $0x2, s0;
	s3 =	sshll.u32 s3, $0x7;
	s2 =	sshll.u32 s1, $0x11  }
0x6: {  	s28 =	simm.s32 $0x0;
	s29 =	sshrl.u32 s0, $0x1;
	s2 =	sor.u32 s3, s2  }
0x7: {  	[smem:$0x7FF] =	sst s28;
	s0 =	ssub.s32 s0, s29;
	s5 =	sand.u32 $0x300380, s2  }
0x8: {  	s1 =	sshll.u32 s1, $0x15;
	s0 =	smax.u32 s0, $0x1;
	[dreg:$0x3] =	wrdreg s5  }
0x9: {  	s30 =	sshrl.u32 s5, $0x3;
	_ =	strace $0x80000047;
	[dreg:$0x5] =	wrdreg s1  }
0xa: {  	s31 =	sadd.s32 s4, s30;
	[dreg:$0x6] =	wrdreg s0  }
0xb: {  	s1 =	simm.s32 $0x0;
	[dreg:$0x4] =	wrdreg s31  }
.LBB2_1:
0xc: {  	[dreg:$0x7] =	wrdreg s1  }
0xd: {  	s0 =	simm.s32 $0x0;
	s2 =	simm.s32 $0x80;
	s3 =	simm.s32 $0x400  }
0xe: {  	s5 =	simm.s32 $0x0;
	s15 =	simm.s32 $0x0;
	_ =	strace $0x80000048  }
0xf: {  	s4 =	simm.s32 $0x1;
	s17 =	simm.s32 $0x0;
	s31 =	rddreg [dreg:$0x4]  }
0x10: {  	[tilespmem:s0], [sflag:$0x1] =	stream.strided.gather [hbm4b:s31+s2], $0x800, s3, s2, $0x200038;
	[tilespmem:$0x11000] =	vst v63  }
0x11: {  	s0 =	simm.s32 $0x0;
	s3 =	simm.s32 $0x0;
	_ =	strace $0x90000048  }
.LBB2_2:
0x12: {  	s18 =	sadd.s32 $0x1, s0  }
0x13: {  	p0 =	seq.s32 s18, $0x40  }
0x14: {  	s18 =	simm.s32 @p0 $0x0  }
0x15: {  	p6 =	sne.s32 s17, $0x3F;
	p1 =	sne.s32 s0, s18  }
0x16: {  	[dreg:$0x8] =	wrdreg s3;
	p0 =	por !p6, !p1  }
0x17: {  	[dreg:$0xb] =	wrdreg s0;
	p0 =	por !p0, !p0  }
0x18: {  	_ =	strace @p0 $0x80000049;
	[dreg:$0xa] =	wrdreg s4  }
0x19: {  	s0 =	sshll.u32 @p0 s18, $0xE;
	s1 =	rddreg [dreg:$0x3]  }
0x1a: {  	s3 =	rddreg [dreg:$0x0];
	s0 =	sadd.s32 @p0 s1, s0;
	s1 =	sand.u32 @p0 $0x1, s4  }
0x1b: {  	s4 =	simm.s32 @p0 $0x400;
	s2 =	sshll.u32 @p0 s1, $0xB;
	s0 =	sshrl.u32 @p0 s0, $0x3  }
0x1c: {  	s1 =	sadd.s32 @p0 $0x1, s1;
	s0 =	sadd.s32 @p0 s3, s0;
	s3 =	simm.s32 @p0 $0x80  }
0x1d: {  	[tilespmem:s2], [sflag:s1] =	stream.strided.gather @p0 [hbm4b:s0+s3], $0x800, s4, s3, $0x200038;
	[tilespmem:$0x11000] =	vst v63  }
0x1e: {  	s10 =	sand.u32 $0x1, s15;
	_ =	strace @p0 $0x90000049  }
0x1f: {  	s0 =	sadd.s32 $0x1, s10;
	_ =	strace $0x8000004A  }
0x20: {  	s11 =	sshll.u32 s15, $0xB;
	_ =	swait.ge [sflag:s0], $0x800  }
0x21: {  	s22 =	simm.s32 $0x0;
	s23 =	sand.u32 $0x800, s11;
	[sflag:s0] =	ssyncset.done $0x0  }
0x22: {  	s12 =	sand.u32 $0x780, s22;
	s4 =	sand.u32 $0x60, s22;
	[sflag:s0] =	ssyncadd.s32 $0xFFFFF800  }
0x23: {  	s1 =	sadd.s32 s12, s23;
	s0 =	sor.u32 $0x10, s4;
	_ =	strace $0x9000004A  }
0x24: {  	s1 =	sadd.s32 s0, s1;
	_ =	strace $0x8000004B  }
0x25: {  	v0 =	vld [tilespmem:s1+$0x0];
	_ =	sdelay $0x4  }
0x26: {  	v0 =	vmul.f32 $2.666666750e+00, v0  }
0x27: {  	s13 =	sand.u32 $0x1, s5  }
0x28: {  	s24 =	simm.s32 $0x0;
	s1 =	sshll.u32 s13, $0xF;
	v2 =	vadd.f32 $8.000000000e+00, v0  }
0x29: {  	s14 =	sand.u32 $0x3C00, s24;
	s20 =	sor.u32 $0x1000, s1  }
0x2a: {  	[dreg:$0x9] =	wrdreg s5;
	s6 =	sadd.s32 s14, s20;
	v0 =	vadd.f32 $-1.000000000e+00, v2  }
0x2b: {  	[dreg:$0xc] =	wrdreg s13;
	s1 =	sadd.s32 s0, s6;
	v1 =	vmin.f32 v2, $1.000000000e+00;
	v3 =	vadd.f32 $-2.000000000e+00, v2  }
0x2c: {  	v4 =	vadd.f32 $-3.000000000e+00, v2;
	[tilespmem:s1+$0x0] =	vst v1;
	v1 =	vclamp.gez.f32 v0, $1.000000000e+00  }
0x2d: {  	s16 =	sand.u32 $0x3, s24;
	v0 =	vmov s20;
	[tilespmem:s1+$0x80] =	vst v1;
	v1 =	vclamp.gez.f32 v3, $1.000000000e+00;
	v3 =	vadd.f32 $-4.000000000e+00, v2  }
0x2e: {  	s2 =	sshll.u32 s16, $0x5;
	[tilespmem:s1+$0x100] =	vst v1;
	v1 =	vclamp.gez.f32 v4, $1.000000000e+00;
	v4 =	vadd.f32 $-5.000000000e+00, v2  }
0x2f: {  	s2 =	sadd.s32 $0x0, s2;
	[tilespmem:s1+$0x180] =	vst v1;
	v1 =	vclamp.gez.f32 v3, $1.000000000e+00;
	v3 =	vadd.f32 $-6.000000000e+00, v2  }
0x30: {  	s19 =	sadd.s32 $0x10, s2;
	v5 =	vld [tilespmem:s23+$0x0];
	[tilespmem:s1+$0x200] =	vst v1;
	v1 =	vclamp.gez.f32 v4, $1.000000000e+00;
	v4 =	vadd.f32 $-7.000000000e+00, v2  }
0x31: {  	s21 =	sor.u32 $0x300, s19;
	[tilespmem:s1+$0x280] =	vst v1;
	v1 =	vclamp.gez.f32 v3, $1.000000000e+00;
	v3 =	vadd.f32 $-1.500000000e+01, v2  }
0x32: {  	s25 =	sor.u32 $0x380, s19;
	s5 =	sadd.s32 $0x4380, s6;
	v6 =	vadd.f32 $-8.000000000e+00, v2;
	[tilespmem:v0+s21+$0x0 ss:$0x1] =	vst.idx.msk $0xffff, v1;
	v1 =	vclamp.gez.f32 v4, $1.000000000e+00  }
0x33: {  	s26 =	sadd.s32 $0x4000, s6;
	s10 =	sadd.s32 s0, s5;
	v4 =	vadd.f32 $-9.000000000e+00, v2;
	[tilespmem:v0+s25+$0x0 ss:$0x1] =	vst.idx.msk $0xffff, v1;
	v1 =	vmax.f32 v3, $0.0e+00  }
0x34: {  	s7 =	sadd.s32 $0x4080, s6;
	s8 =	sadd.s32 s0, s26;
	v6 =	vclamp.gez.f32 v6, $1.000000000e+00;
	v3 =	vadd.f32 $-1.000000000e+01, v2;
	[tilespmem:s10+$0x0] =	vst v1  }
0x35: {  	s11 =	sadd.s32 $0x4100, s6;
	s12 =	sadd.s32 $0x4200, s6;
	s9 =	sadd.s32 s0, s7;
	v5 =	vmul.f32 $2.666666750e+00, v5;
	v1 =	vadd.f32 $-1.100000000e+01, v2;
	v4 =	vclamp.gez.f32 v4, $1.000000000e+00;
	[tilespmem:s8+$0x0] =	vst v6  }
0x36: {  	s14 =	sadd.s32 $0x4280, s6;
	s13 =	sadd.s32 s0, s11;
	s10 =	sadd.s32 $0x4180, s6;
	v6 =	vadd.f32 $-1.200000000e+01, v2;
	v3 =	vclamp.gez.f32 v3, $1.000000000e+00;
	[tilespmem:s9+$0x0] =	vst v4  }
0x37: {  	s19 =	sadd.s32 $0x4300, s6;
	s28 =	sadd.s32 s4, s26;
	s16 =	sadd.s32 s0, s10;
	v4 =	vadd.f32 $-1.300000000e+01, v2;
	v7 =	vclamp.gez.f32 v1, $1.000000000e+00;
	v1 =	vadd.f32 $8.000000000e+00, v5;
	[tilespmem:s13+$0x0] =	vst v3  }
0x38: {  	s30 =	sadd.s32 s4, s7;
	s29 =	sadd.s32 s4, s11;
	s21 =	sadd.s32 s0, s12;
	v2 =	vadd.f32 $-1.400000000e+01, v2;
	v3 =	vclamp.gez.f32 v6, $1.000000000e+00;
	[tilespmem:s16+$0x0] =	vst v7  }
0x39: {  	s11 =	sor.u32 $0x380, s2;
	s26 =	sadd.s32 s0, s19;
	s25 =	sadd.s32 s0, s14;
	v4 =	vclamp.gez.f32 v4, $1.000000000e+00;
	[tilespmem:s21+$0x0] =	vst v3;
	v3 =	vadd.f32 $-1.000000000e+00, v1  }
0x3a: {  	s31 =	sadd.s32 s4, s5;
	s1 =	sadd.s32 s4, s14;
	s8 =	sor.u32 $0x300, s2;
	v2 =	vclamp.gez.f32 v2, $1.000000000e+00;
	[tilespmem:s25+$0x0] =	vst v4;
	v4 =	vadd.f32 $-2.000000000e+00, v1  }
0x3b: {  	s10 =	sadd.s32 s4, s10;
	s0 =	sadd.s32 s4, s12;
	s2 =	sadd.s32 s4, s6;
	v5 =	vclamp.gez.f32 v3, $1.000000000e+00;
	[tilespmem:s26+$0x0] =	vst v2;
	v3 =	vadd.f32 $-3.000000000e+00, v1  }
0x3c: {  	s9 =	sadd.s32 s4, s19;
	s25 =	smov.u32 s23;
	v2 =	vadd.f32 $-4.000000000e+00, v1;
	s26 =	simm.s32 $0x0;
	[tilespmem:s2+$0x80] =	vst v5;
	v4 =	vclamp.gez.f32 v4, $1.000000000e+00  }
.LBB2_3:
0x3d: {  	s22 =	sadd.s32 $0x20, s22;
	[tilespmem:s2+$0x100] =	vst v4;
	v3 =	vclamp.gez.f32 v3, $1.000000000e+00;
	v4 =	vadd.f32 $-5.000000000e+00, v1  }
0x3e: {  	s4 =	sand.u32 $0x60, s22;
	s3 =	sand.u32 $0x780, s22;
	p2 =	slt.u32 s22, $0x7E0;
	[tilespmem:s2+$0x180] =	vst v3;
	v2 =	vclamp.gez.f32 v2, $1.000000000e+00  }
0x3f: {  	v3 =	vadd.f32 $-6.000000000e+00, v1;
	s6 =	sor.u32 $0x10, s4;
	s3 =	sadd.s32 s3, s23;
	[tilespmem:s2+$0x200] =	vst v2;
	v2 =	vclamp.gez.f32 v4, $1.000000000e+00  }
0x40: {  	v4 =	vmin.f32 v1, $1.000000000e+00;
	s3 =	sadd.s32 s6, s3;
	[tilespmem:s2+$0x280] =	vst v2;
	v2 =	vadd.f32 $-7.000000000e+00, v1  }
0x41: {  	v3 =	vclamp.gez.f32 v3, $1.000000000e+00;
	v5 =	vld [tilespmem:s3+$0x0];
	[tilespmem:s2+$0x0] =	vst v4;
	v4 =	vadd.f32 $-8.000000000e+00, v1  }
0x42: {  	[tilespmem:v0+s8+$0x0 ss:$0x1] =	vst.idx.msk $0xffff, v3;
	v2 =	vclamp.gez.f32 v2, $1.000000000e+00;
	v3 =	vadd.f32 $-9.000000000e+00, v1  }
0x43: {  	[tilespmem:v0+s11+$0x0 ss:$0x1] =	vst.idx.msk $0xffff, v2;
	v2 =	vclamp.gez.f32 v4, $1.000000000e+00;
	v4 =	vadd.f32 $-1.000000000e+01, v1  }
0x44: {  	[tilespmem:s28+$0x0] =	vst v2;
	v2 =	vclamp.gez.f32 v3, $1.000000000e+00;
	v3 =	vadd.f32 $-1.100000000e+01, v1  }
0x45: {  	[tilespmem:s30+$0x0] =	vst v2;
	v2 =	vclamp.gez.f32 v4, $1.000000000e+00;
	v4 =	vadd.f32 $-1.200000000e+01, v1  }
0x46: {  	v5 =	vmul.f32 $2.666666750e+00, v5;
	[tilespmem:s29+$0x0] =	vst v2;
	v2 =	vclamp.gez.f32 v3, $1.000000000e+00;
	v3 =	vadd.f32 $-1.300000000e+01, v1  }
0x47: {  	[tilespmem:s10+$0x0] =	vst v2;
	v2 =	vclamp.gez.f32 v4, $1.000000000e+00;
	v4 =	vadd.f32 $-1.400000000e+01, v1  }
0x48: {  	s24 =	sadd.s32 $0x100, s24;
	v1 =	vadd.f32 $-1.500000000e+01, v1;
	v5 =	vadd.f32 $8.000000000e+00, v5;
	[tilespmem:s0+$0x0] =	vst v2;
	v2 =	vclamp.gez.f32 v3, $1.000000000e+00  }
0x49: {  	s0 =	sand.u32 $0x3C00, s24;
	[tilespmem:s1+$0x0] =	vst v2;
	v2 =	vclamp.gez.f32 v4, $1.000000000e+00  }
0x4a: {  	s25 =	sadd.s32 $0x20, s25;
	s12 =	sadd.s32 s0, s20;
	v1 =	vmax.f32 v1, $0.0e+00;
	v3 =	vadd.f32 $-1.000000000e+00, v5;
	v4 =	vadd.f32 $-8.000000000e+00, v5;
	[tilespmem:s9+$0x0] =	vst v2  }
0x4b: {  	s2 =	sadd.s32 $0x4000, s12;
	s3 =	sadd.s32 $0x4080, s12;
	v2 =	vmin.f32 v5, $1.000000000e+00;
	s1 =	sadd.s32 s6, s12;
	v6 =	vadd.f32 $-2.000000000e+00, v5;
	v7 =	vadd.f32 $-9.000000000e+00, v5;
	[tilespmem:s31+$0x0] =	vst v1  }
0x4c: {  	s26 =	sadd.s32 $0x1, s26;
	s7 =	sadd.s32 $0x4100, s12;
	s5 =	sadd.s32 $0x4180, s12;
	[tilespmem:s1+$0x0] =	vst v2;
	v1 =	vclamp.gez.f32 v3, $1.000000000e+00;
	v2 =	vadd.f32 $-3.000000000e+00, v5;
	v3 =	vadd.f32 $-1.000000000e+01, v5  }
0x4d: {  	s0 =	sand.u32 $0x3, s26;
	s21 =	sadd.s32 $0x4200, s12;
	s19 =	sadd.s32 $0x4280, s12;
	v8 =	vadd.f32 $-1.100000000e+01, v5;
	[tilespmem:s1+$0x80] =	vst v1;
	v1 =	vclamp.gez.f32 v6, $1.000000000e+00;
	v6 =	vadd.f32 $-4.000000000e+00, v5  }
0x4e: {  	s0 =	sshll.u32 s0, $0x5;
	s13 =	sadd.s32 $0x4300, s12;
	v9 =	vadd.f32 $-1.200000000e+01, v5;
	s28 =	sadd.s32 s4, s2;
	[tilespmem:s1+$0x100] =	vst v1;
	v1 =	vclamp.gez.f32 v2, $1.000000000e+00;
	v2 =	vadd.f32 $-5.000000000e+00, v5  }
0x4f: {  	v10 =	vadd.f32 $-1.300000000e+01, v5;
	s0 =	sadd.s32 s0, s24;
	s30 =	sadd.s32 s4, s3;
	s29 =	sadd.s32 s4, s7;
	[tilespmem:s1+$0x180] =	vst v1;
	v1 =	vclamp.gez.f32 v6, $1.000000000e+00;
	v6 =	vadd.f32 $-6.000000000e+00, v5  }
0x50: {  	v12 =	vadd.f32 $-1.400000000e+01, v5;
	s8 =	sor.u32 $0x300, s0;
	s11 =	sor.u32 $0x380, s0;
	s9 =	sadd.s32 $0x10, s0;
	v11 =	vld [tilespmem:s25+$0x0];
	[tilespmem:s1+$0x200] =	vst v1;
	v1 =	vclamp.gez.f32 v2, $1.000000000e+00;
	v2 =	vadd.f32 $-7.000000000e+00, v5  }
0x51: {  	s10 =	sadd.s32 s4, s5;
	s0 =	sadd.s32 s4, s21;
	v4 =	vclamp.gez.f32 v4, $1.000000000e+00;
	s31 =	sor.u32 $0x300, s9;
	v5 =	vadd.f32 $-1.500000000e+01, v5;
	[tilespmem:s1+$0x280] =	vst v1;
	v1 =	vclamp.gez.f32 v6, $1.000000000e+00  }
0x52: {  	s14 =	sadd.s32 $0x4380, s12;
	s16 =	sor.u32 $0x380, s9;
	s1 =	sadd.s32 s4, s19;
	[tilespmem:v0+s31+$0x0 ss:$0x1] =	vst.idx.msk $0xffff, v1;
	v1 =	vclamp.gez.f32 v2, $1.000000000e+00;
	v2 =	vclamp.gez.f32 v7, $1.000000000e+00  }
0x53: {  	s9 =	sadd.s32 s4, s13;
	v3 =	vclamp.gez.f32 v3, $1.000000000e+00;
	v6 =	vclamp.gez.f32 v8, $1.000000000e+00;
	s31 =	sadd.s32 s4, s14;
	s14 =	sadd.s32 s6, s14;
	[tilespmem:v0+s16+$0x0 ss:$0x1] =	vst.idx.msk $0xffff, v1;
	v1 =	vmax.f32 v5, $0.0e+00  }
0x54: {  	s2 =	sadd.s32 s6, s2;
	s3 =	sadd.s32 s6, s3;
	s7 =	sadd.s32 s6, s7;
	v7 =	vclamp.gez.f32 v10, $1.000000000e+00;
	v5 =	vclamp.gez.f32 v9, $1.000000000e+00;
	[tilespmem:s14+$0x0] =	vst v1  }
0x55: {  	s5 =	sadd.s32 s6, s5;
	s16 =	sadd.s32 s6, s19;
	s14 =	sadd.s32 s6, s21;
	v1 =	vmul.f32 $2.666666750e+00, v11;
	[tilespmem:s2+$0x0] =	vst v4;
	v4 =	vclamp.gez.f32 v12, $1.000000000e+00  }
0x56: {  	s2 =	sadd.s32 s4, s12;
	[tilespmem:s3+$0x0] =	vst v2;
	s3 =	sadd.s32 s6, s13  }
0x57: {  	v1 =	vadd.f32 $8.000000000e+00, v1;
	[tilespmem:s7+$0x0] =	vst v3  }
.Ltmp0:
0x58: {  	[tilespmem:s5+$0x0] =	vst v6;
	(pc) =	sbr.rel @p2 .LBB2_3-.Ltmp0, $4  }
0x59: {  	v2 =	vadd.f32 $-1.000000000e+00, v1;
	[tilespmem:s14+$0x0] =	vst v5  }
0x5a: {  	v5 =	vadd.f32 $-2.000000000e+00, v1;
	[tilespmem:s16+$0x0] =	vst v7  }
0x5b: {  	v3 =	vadd.f32 $-3.000000000e+00, v1;
	v2 =	vclamp.gez.f32 v2, $1.000000000e+00;
	[tilespmem:s3+$0x0] =	vst v4  }
0x5c: {  	v4 =	vclamp.gez.f32 v5, $1.000000000e+00;
	[tilespmem:s2+$0x80] =	vst v2;
	v2 =	vadd.f32 $-4.000000000e+00, v1  }
0x5d: {  	[tilespmem:s2+$0x100] =	vst v4;
	v3 =	vclamp.gez.f32 v3, $1.000000000e+00  }
0x5e: {  	v43 =	vadd.f32 $-5.000000000e+00, v1;
	v46 =	vmin.f32 v1, $1.000000000e+00;
	[tilespmem:s2+$0x180] =	vst v3  }
0x5f: {  	v45 =	vadd.f32 $-6.000000000e+00, v1;
	v2 =	vclamp.gez.f32 v2, $1.000000000e+00;
	[tilespmem:s2+$0x0] =	vst v46  }
0x60: {  	v47 =	vadd.f32 $-7.000000000e+00, v1;
	[tilespmem:s2+$0x200] =	vst v2;
	v44 =	vclamp.gez.f32 v43, $1.000000000e+00  }
0x61: {  	v48 =	vadd.f32 $-8.000000000e+00, v1;
	v3 =	vclamp.gez.f32 v45, $1.000000000e+00;
	[tilespmem:s2+$0x280] =	vst v44  }
0x62: {  	v49 =	vadd.f32 $-9.000000000e+00, v1;
	v2 =	vclamp.gez.f32 v47, $1.000000000e+00;
	[tilespmem:v0+s8+$0x0 ss:$0x1] =	vst.idx.msk $0xffff, v3  }
0x63: {  	v51 =	vadd.f32 $-1.000000000e+01, v1;
	v50 =	vclamp.gez.f32 v48, $1.000000000e+00;
	[tilespmem:v0+s11+$0x0 ss:$0x1] =	vst.idx.msk $0xffff, v2  }
0x64: {  	v53 =	vadd.f32 $-1.100000000e+01, v1;
	v52 =	vclamp.gez.f32 v49, $1.000000000e+00;
	[tilespmem:s28+$0x0] =	vst v50  }
0x65: {  	v55 =	vadd.f32 $-1.200000000e+01, v1;
	v54 =	vclamp.gez.f32 v51, $1.000000000e+00;
	[tilespmem:s30+$0x0] =	vst v52  }
0x66: {  	v57 =	vadd.f32 $-1.300000000e+01, v1;
	v56 =	vclamp.gez.f32 v53, $1.000000000e+00;
	[tilespmem:s29+$0x0] =	vst v54  }
0x67: {  	v59 =	vadd.f32 $-1.400000000e+01, v1;
	v58 =	vclamp.gez.f32 v55, $1.000000000e+00;
	[tilespmem:s10+$0x0] =	vst v56  }
0x68: {  	v61 =	vadd.f32 $-1.500000000e+01, v1;
	v60 =	vclamp.gez.f32 v57, $1.000000000e+00;
	[tilespmem:s0+$0x0] =	vst v58  }
0x69: {  	v62 =	vclamp.gez.f32 v59, $1.000000000e+00;
	[tilespmem:s1+$0x0] =	vst v60  }
0x6a: {  	v63 =	vmax.f32 v61, $0.0e+00;
	[tilespmem:s9+$0x0] =	vst v62  }
0x6b: {  	p2 =	seq.s32 s17, $0x3F;
	[tilespmem:s31+$0x0] =	vst v63  }
0x6c: {  	p1 =	por p2, p1;
	s1 =	rddreg [dreg:$0xb];
	_ =	strace $0x9000004B  }
0x6d: {  	s1 =	sshll.u32 @p1 s1, $0xE;
	s2 =	rddreg [dreg:$0x5];
	_ =	strace @p1 $0x8000004C  }
0x6e: {  	s1 =	sadd.s32 @p1 s2, s1;
	s2 =	rddreg [dreg:$0xc]  }
0x6f: {  	s4 =	simm.s32 @p1 $0x100000;
	s0 =	simm.s32 $0x1;
	s3 =	rddreg [dreg:$0x1]  }
0x70: {  	s0 =	simm.s32 @!p0 $0x0;
	s31 =	rddreg [dreg:$0xa];
	s1 =	sshrl.u32 @p1 s1, $0x3  }
0x71: {  	s2 =	sadd.s32 @p1 $0x3, s2;
	s1 =	sadd.s32 @p1 s3, s1;
	s3 =	simm.s32 @p1 $0x4000  }
0x72: {  	[hbm4b:s1+s3] =	stream.strided.scatter @p1 [tilespmem:s20], [sflag:s2], $0x8000, s4, s3, $0x200038;
	[tilespmem:$0x11000] =	vst v63  }
0x73: {  	p0 =	seq.s32 s17, $0x0;
	s4 =	sadd.s32 s0, s31;
	s0 =	simm.s32 $0x1  }
0x74: {  	s2 =	simm.s32 $0x1;
	_ =	strace @p1 $0x9000004C;
	s0 =	simm.s32 @!p1 $0x0  }
0x75: {  	p1 =	sne.s32 s17, $0x0;
	s17 =	sadd.s32 $0x1, s17;
	s3 =	rddreg [dreg:$0x8]  }
0x76: {  	s2 =	simm.s32 @!p1 $0x0;
	p1 =	sne.s32 s17, $0x40;
	s1 =	sand.u32 @!p0 $0x1, s3  }
.Ltmp1:
0x77: {  	_ =	strace @!p0 $0x8000004D;
	s1 =	sadd.s32 @!p0 $0x3, s1;
	(pc) =	sbr.rel @p1 .LBB2_2-.Ltmp1, $4  }
0x78: {  	s5 =	rddreg [dreg:$0x9];
	_ =	swait.ge @!p0 [sflag:s1], $0x8000  }
0x79: {  	[sflag:s1] =	ssyncset.done @!p0 $0x0  }
0x7a: {  	s15 =	sadd.s32 s0, s15;
	s3 =	sadd.s32 s2, s3;
	[sflag:s1] =	ssyncadd.s32 @!p0 $0xFFFF8000  }
0x7b: {  	s5 =	sadd.s32 s0, s5;
	s0 =	smov.u32 s18;
	_ =	strace @!p0 $0x9000004D  }
0x7c: {  	_ =	strace $0x8000004E;
	s0 =	simm.s32 $0x4  }
0x7d: {  	_ =	swait.ge [sflag:s0], $0x8000  }
0x7e: {  	s1 =	rddreg [dreg:$0x7]  }
0x7f: {  	s31 =	rddreg [dreg:$0x6];
	s1 =	sadd.s32 $0x1, s1  }
0x80: {  	p0 =	sne.s32 s1, s31  }
.Ltmp2:
0x81: {  	_ = 	snop;
	(pc) =	sbr.rel @p0 .LBB2_1-.Ltmp2, $4  }
0x82: {  	_ = 	snop  }
0x83: {  	[sflag:s0] =	ssyncset.done $0x0  }
0x84: {  	[sflag:s0] =	ssyncadd.s32 $0xFFFF8000  }
0x85: {  	_ =	strace $0x9000004E  }
0x86: {  	_ =	sfence.sel $0x180000  }
0x87: {  	[bflag:$0x0] =	sbarrier.arrive $0xFFFF  }
0x88: {  	_ =	strace $0x90000047  }
0x89: {  	s0 =	stileid.u32;
	[bflag:$0x2] =	sbarrier.arrive $0xFFFF  }
0x8a: {  	p0 =	sne.s32 s0, $0x0;
	s0 =	rddreg [dreg:$0x2]  }
0x8b: {  	s0 =	sadd.s32 @!p0 $0x100000, s0  }
0x8c: {  	[sflag:s0] =	ssyncadd.tile.s32 @!p0 $0x1;
	_ =	shalt  }
.Lfunc_end2:
_tile_overlayer_lowered:
.L_overlay_start_2:
0x8d: {  	(tag) =	ssettag $0x2  }
0x8e: {  	s0 =	rddreg [dreg:$0x0];
	s2 =	stileid.u32  }
0x8f: {  	s1 =	rddreg [dreg:$0x1];
	p0 =	sne.s32 s2, $0x0  }
0x90: {  	s3 =	rddreg [dreg:$0x2];
	[bflag:$0x3] =	sbarrier.arrive $0xFFFF;
	s2 =	simm.s32 @!p0 $0x1C01  }
0x91: {  	[timem:s3], [sflag:s2] =	dma.local @!p0 [hbm:s0], s1  }
0x92: {  	s0 =	simm.s32 @!p0 $0x1  }
0x93: {  	_ =	swait.ge @!p0 [sflag:s0], s1  }
0x94: {  	s1 =	ssub.s32 @!p0 $0x0, s1;
	[sflag:s0] =	ssyncset.done @!p0 $0x0  }
0x95: {  	[sflag:s0] =	ssyncadd.s32 @!p0 s1  }
0x96: {  	[bflag:$0x3] =	sbarrier.arrive $0xFFFF  }
0x97: {  	_ =	shalt  }

</sc_bundles>
